<compile_context>
chip_gen: v7x
topology: tpu7x:2x2x1
jax: 0.10.2.dev20260603
libtpu: 0.0.44.dev20260713+nightly
codegen_flags: <defaults>
</compile_context>

<pallas_src>
import functools
import jax
import jax.numpy as jnp
from jax import lax
from jax.experimental import pallas as pl
from jax.experimental.pallas import tpu as pltpu, tpu_sc as plsc

B, S, H, D = 16, 4096, 16, 64
HD = H * D
NC, NS = 2, 16
NW = NC * NS
S2 = S // 2
CH = 16
NCH = S2 // CH
UPW = S // NW
NCH2 = UPW // CH
NBUF = 4

_mesh = plsc.VectorSubcoreMesh(core_axis_name="c", subcore_axis_name="s")


@functools.partial(
    pl.kernel,
    mesh=_mesh,
    out_type=jax.ShapeDtypeStruct((B * S, HD), jnp.float32),
    scratch_types=[
        pltpu.VMEM((NBUF, CH, HD), jnp.float32),
        pltpu.VMEM((CH,), jnp.int32),
        pltpu.SemaphoreType.DMA((NBUF,)),
        pltpu.SemaphoreType.DMA((NBUF,)),
    ],
)
def _sc_body(cache_hbm, update_hbm, idx_hbm, out_hbm, buf, idx_v, isems,
             osems):
    tile = lax.axis_index("s")
    core = lax.axis_index("c")
    base1 = tile * S + core * S2

    def in_copy(c, slot):
        return pltpu.make_async_copy(
            cache_hbm.at[pl.ds(base1 + c * CH, CH)], buf.at[slot],
            isems.at[slot])

    def out_copy(c, slot):
        return pltpu.make_async_copy(
            buf.at[slot], out_hbm.at[pl.ds(base1 + c * CH, CH)],
            osems.at[slot])

    for s in range(NBUF):
        in_copy(s, s).start()

    @pl.loop(0, NCH, step=NBUF)
    def _(c):
        for s in range(NBUF):
            cc = c + s
            in_copy(cc, s).wait()
            out_copy(cc, s).start()
            out_copy(cc, s).wait()
            nxt = cc + NBUF

            @pl.when(nxt < NCH)
            def _():
                in_copy(nxt, s).start()

    plsc.subcore_barrier()

    ub = core * S2 + tile * UPW

    @pl.loop(0, NCH2)
    def _(t):
        off = ub + t * CH
        pltpu.sync_copy(idx_hbm.at[pl.ds(off, CH)], idx_v)
        pltpu.sync_copy(update_hbm.at[pl.ds(off, CH)], buf.at[0])
        pltpu.async_copy(buf.at[0], out_hbm.at[idx_v], osems.at[0]).wait()


@jax.jit
def _dus(cache, update, seq_ids):
    cache2d = cache.reshape(B * S, HD)
    update2d = update.reshape(S, HD)
    idx = seq_ids[0] * S + jnp.arange(S, dtype=jnp.int32)
    out = _sc_body(cache2d, update2d, idx)
    return out.reshape(B, S, H, D)


def kernel(cache, update, seq_ids):
    return _dus(cache, update, seq_ids)

# --- scband reference (transcript-rebuilt; emitter-appended) ---
"""Pipeline reference for scband-test-dynamic-update-slice-module-88648124989787 (READ-ONLY COPY).

The authoritative reference and input builder live on the scoring server;
editing this copy changes nothing except your own understanding.
"""

import jax, jax.numpy as jnp
import numpy as np

B, S, H, D = 16, 4096, 16, 64

def setup_inputs(seed: int = 0) -> dict:
    key = jax.random.key(seed)
    k1, k2, k3 = jax.random.split(key, 3)
    cache = jax.random.normal(k1, (B, S, H, D), dtype=jnp.float32)
    update = jax.random.normal(k2, (1, S, H, D), dtype=jnp.float32)
    seq_ids = jax.random.randint(k3, (1,), 0, B, dtype=jnp.int32)
    return {"cache": cache, "update": update, "seq_ids": seq_ids}

def reference(cache, update, seq_ids):
    # Build start indices: [seq_id, 0, 0, 0] as in the torch module's scatter construction
    zero = jnp.zeros((), dtype=seq_ids.dtype)
    start_indices = (seq_ids[0], zero, zero, zero)
    return jax.lax.dynamic_update_slice(cache, update, start_indices)

if __name__ == "__main__":
    import jax
    _d = setup_inputs()
    print(jax.jit(kernel)(*tuple(_d.values())))

</pallas_src>

<mosaic_0001>
#map = affine_map<(d0, d1) -> (0, 0)>
#map1 = affine_map<(d0, d1) -> (0)>
module attributes {stable_mosaic.version = 14 : i64} {
  func.func @_sc_body(%arg0: i32, %arg1: i32, %arg2: memref<65536x1024xf32, #tpu.memory_space<hbm>>, %arg3: memref<4096x1024xf32, #tpu.memory_space<hbm>>, %arg4: memref<4096xi32, #tpu.memory_space<hbm>>, %arg5: memref<65536x1024xf32, #tpu.memory_space<hbm>>, %arg6: memref<4x16x1024xf32, #tpu.memory_space<vmem>>, %arg7: memref<16xi32, #tpu.memory_space<vmem>>, %arg8: memref<4x!tpu.dma_semaphore, #tpu.memory_space<semaphore_mem>>, %arg9: memref<4x!tpu.dma_semaphore, #tpu.memory_space<semaphore_mem>>) attributes {dimension_semantics = [#tpu.dimension_semantics<core_parallel>, #tpu.dimension_semantics<subcore_parallel>], iteration_bounds = array<i64: 2, 16>, scalar_prefetch = 0 : i64, scratch_operands = 4 : i64, tpu.core_type = #tpu.core_type<sc_vector_subcore>, window_params = [{transform_indices = #map}, {transform_indices = #map}, {transform_indices = #map1}, {transform_indices = #map}]} {
    %mul3A = arith.constant 4096 : i32
    %mul3A_0 = arith.muli %arg1, %mul3A : i32
    %mul3A_1 = arith.constant 2048 : i32
    %mul3A_2 = arith.muli %arg0, %mul3A_1 : i32
    %add3A = arith.addi %mul3A_0, %mul3A_2 : i32
    %add3A_3 = arith.constant 0 : i32
    %add3A_4 = arith.addi %add3A, %add3A_3 : i32
    %dma_start3A = arith.constant 0 : i32
    %dma_start3A_5 = arith.constant 0 : i32
    %dma_start3A_6 = arith.constant 0 : i32
    %dma_start3A_7 = arith.constant 0 : i32
    %dma_start3A_8 = tpu.memref_slice %arg6[%dma_start3A, %dma_start3A_6, %dma_start3A_7] : memref<4x16x1024xf32, #tpu.memory_space<vmem>> -> memref<1x16x1024xf32, #tpu.memory_space<vmem>>
    %dma_start3A_9 = tpu.memref_squeeze %dma_start3A_8 : memref<1x16x1024xf32, #tpu.memory_space<vmem>> -> memref<16x1024xf32, #tpu.memory_space<vmem>>
    %dma_start3A_10 = arith.constant 0 : i32
    %dma_start3A_11 = tpu.memref_slice %arg2[%add3A_4, %dma_start3A_10] : memref<65536x1024xf32, #tpu.memory_space<hbm>> -> memref<16x1024xf32, #tpu.memory_space<hbm>>
    %dma_start3A_12 = tpu.memref_slice %arg8[%dma_start3A_5] : memref<4x!tpu.dma_semaphore, #tpu.memory_space<semaphore_mem>> -> memref<1x!tpu.dma_semaphore, #tpu.memory_space<semaphore_mem>>
    %dma_start3A_13 = tpu.memref_squeeze %dma_start3A_12 : memref<1x!tpu.dma_semaphore, #tpu.memory_space<semaphore_mem>> -> memref<!tpu.dma_semaphore, #tpu.memory_space<semaphore_mem>>
    %dma_start3A_14 = arith.constant 0 : i32
    %dma_start3A_15 = arith.constant 0 : i32
    %dma_start3A_16 = tpu.memref_slice %arg6[%dma_start3A, %dma_start3A_14, %dma_start3A_15] : memref<4x16x1024xf32, #tpu.memory_space<vmem>> -> memref<1x16x1024xf32, #tpu.memory_space<vmem>>
    %dma_start3A_17 = tpu.memref_squeeze %dma_start3A_16 : memref<1x16x1024xf32, #tpu.memory_space<vmem>> -> memref<16x1024xf32, #tpu.memory_space<vmem>>
    %dma_start3A_18 = arith.constant 0 : i32
    %dma_start3A_19 = tpu.memref_slice %arg2[%add3A_4, %dma_start3A_18] : memref<65536x1024xf32, #tpu.memory_space<hbm>> -> memref<16x1024xf32, #tpu.memory_space<hbm>>
    tpu.enqueue_dma source(%dma_start3A_19 : memref<16x1024xf32, #tpu.memory_space<hbm>>) target(%dma_start3A_17 : memref<16x1024xf32, #tpu.memory_space<vmem>>) target_semaphore(%dma_start3A_13 : memref<!tpu.dma_semaphore, #tpu.memory_space<semaphore_mem>>)
    %add3A_20 = arith.constant 16 : i32
    %add3A_21 = arith.addi %add3A, %add3A_20 : i32
    %dma_start3A_22 = arith.constant 1 : i32
    %dma_start3A_23 = arith.constant 1 : i32
    %dma_start3A_24 = arith.constant 0 : i32
    %dma_start3A_25 = arith.constant 0 : i32
    %dma_start3A_26 = tpu.memref_slice %arg6[%dma_start3A_22, %dma_start3A_24, %dma_start3A_25] : memref<4x16x1024xf32, #tpu.memory_space<vmem>> -> memref<1x16x1024xf32, #tpu.memory_space<vmem>>
    %dma_start3A_27 = tpu.memref_squeeze %dma_start3A_26 : memref<1x16x1024xf32, #tpu.memory_space<vmem>> -> memref<16x1024xf32, #tpu.memory_space<vmem>>
    %dma_start3A_28 = arith.constant 0 : i32
    %dma_start3A_29 = tpu.memref_slice %arg2[%add3A_21, %dma_start3A_28] : memref<65536x1024xf32, #tpu.memory_space<hbm>> -> memref<16x1024xf32, #tpu.memory_space<hbm>>
    %dma_start3A_30 = tpu.memref_slice %arg8[%dma_start3A_23] : memref<4x!tpu.dma_semaphore, #tpu.memory_space<semaphore_mem>> -> memref<1x!tpu.dma_semaphore, #tpu.memory_space<semaphore_mem>>
    %dma_start3A_31 = tpu.memref_squeeze %dma_start3A_30 : memref<1x!tpu.dma_semaphore, #tpu.memory_space<semaphore_mem>> -> memref<!tpu.dma_semaphore, #tpu.memory_space<semaphore_mem>>
    %dma_start3A_32 = arith.constant 0 : i32
    %dma_start3A_33 = arith.constant 0 : i32
    %dma_start3A_34 = tpu.memref_slice %arg6[%dma_start3A_22, %dma_start3A_32, %dma_start3A_33] : memref<4x16x1024xf32, #tpu.memory_space<vmem>> -> memref<1x16x1024xf32, #tpu.memory_space<vmem>>
    %dma_start3A_35 = tpu.memref_squeeze %dma_start3A_34 : memref<1x16x1024xf32, #tpu.memory_space<vmem>> -> memref<16x1024xf32, #tpu.memory_space<vmem>>
    %dma_start3A_36 = arith.constant 0 : i32
    %dma_start3A_37 = tpu.memref_slice %arg2[%add3A_21, %dma_start3A_36] : memref<65536x1024xf32, #tpu.memory_space<hbm>> -> memref<16x1024xf32, #tpu.memory_space<hbm>>
    tpu.enqueue_dma source(%dma_start3A_37 : memref<16x1024xf32, #tpu.memory_space<hbm>>) target(%dma_start3A_35 : memref<16x1024xf32, #tpu.memory_space<vmem>>) target_semaphore(%dma_start3A_31 : memref<!tpu.dma_semaphore, #tpu.memory_space<semaphore_mem>>)
    %add3A_38 = arith.constant 32 : i32
    %add3A_39 = arith.addi %add3A, %add3A_38 : i32
    %dma_start3A_40 = arith.constant 2 : i32
    %dma_start3A_41 = arith.constant 2 : i32
    %dma_start3A_42 = arith.constant 0 : i32
    %dma_start3A_43 = arith.constant 0 : i32
    %dma_start3A_44 = tpu.memref_slice %arg6[%dma_start3A_40, %dma_start3A_42, %dma_start3A_43] : memref<4x16x1024xf32, #tpu.memory_space<vmem>> -> memref<1x16x1024xf32, #tpu.memory_space<vmem>>
    %dma_start3A_45 = tpu.memref_squeeze %dma_start3A_44 : memref<1x16x1024xf32, #tpu.memory_space<vmem>> -> memref<16x1024xf32, #tpu.memory_space<vmem>>
    %dma_start3A_46 = arith.constant 0 : i32
    %dma_start3A_47 = tpu.memref_slice %arg2[%add3A_39, %dma_start3A_46] : memref<65536x1024xf32, #tpu.memory_space<hbm>> -> memref<16x1024xf32, #tpu.memory_space<hbm>>
    %dma_start3A_48 = tpu.memref_slice %arg8[%dma_start3A_41] : memref<4x!tpu.dma_semaphore, #tpu.memory_space<semaphore_mem>> -> memref<1x!tpu.dma_semaphore, #tpu.memory_space<semaphore_mem>>
    %dma_start3A_49 = tpu.memref_squeeze %dma_start3A_48 : memref<1x!tpu.dma_semaphore, #tpu.memory_space<semaphore_mem>> -> memref<!tpu.dma_semaphore, #tpu.memory_space<semaphore_mem>>
    %dma_start3A_50 = arith.constant 0 : i32
    %dma_start3A_51 = arith.constant 0 : i32
    %dma_start3A_52 = tpu.memref_slice %arg6[%dma_start3A_40, %dma_start3A_50, %dma_start3A_51] : memref<4x16x1024xf32, #tpu.memory_space<vmem>> -> memref<1x16x1024xf32, #tpu.memory_space<vmem>>
    %dma_start3A_53 = tpu.memref_squeeze %dma_start3A_52 : memref<1x16x1024xf32, #tpu.memory_space<vmem>> -> memref<16x1024xf32, #tpu.memory_space<vmem>>
    %dma_start3A_54 = arith.constant 0 : i32
    %dma_start3A_55 = tpu.memref_slice %arg2[%add3A_39, %dma_start3A_54] : memref<65536x1024xf32, #tpu.memory_space<hbm>> -> memref<16x1024xf32, #tpu.memory_space<hbm>>
    tpu.enqueue_dma source(%dma_start3A_55 : memref<16x1024xf32, #tpu.memory_space<hbm>>) target(%dma_start3A_53 : memref<16x1024xf32, #tpu.memory_space<vmem>>) target_semaphore(%dma_start3A_49 : memref<!tpu.dma_semaphore, #tpu.memory_space<semaphore_mem>>)
    %add3A_56 = arith.constant 48 : i32
    %add3A_57 = arith.addi %add3A, %add3A_56 : i32
    %dma_start3A_58 = arith.constant 3 : i32
    %dma_start3A_59 = arith.constant 3 : i32
    %dma_start3A_60 = arith.constant 0 : i32
    %dma_start3A_61 = arith.constant 0 : i32
    %dma_start3A_62 = tpu.memref_slice %arg6[%dma_start3A_58, %dma_start3A_60, %dma_start3A_61] : memref<4x16x1024xf32, #tpu.memory_space<vmem>> -> memref<1x16x1024xf32, #tpu.memory_space<vmem>>
    %dma_start3A_63 = tpu.memref_squeeze %dma_start3A_62 : memref<1x16x1024xf32, #tpu.memory_space<vmem>> -> memref<16x1024xf32, #tpu.memory_space<vmem>>
    %dma_start3A_64 = arith.constant 0 : i32
    %dma_start3A_65 = tpu.memref_slice %arg2[%add3A_57, %dma_start3A_64] : memref<65536x1024xf32, #tpu.memory_space<hbm>> -> memref<16x1024xf32, #tpu.memory_space<hbm>>
    %dma_start3A_66 = tpu.memref_slice %arg8[%dma_start3A_59] : memref<4x!tpu.dma_semaphore, #tpu.memory_space<semaphore_mem>> -> memref<1x!tpu.dma_semaphore, #tpu.memory_space<semaphore_mem>>
    %dma_start3A_67 = tpu.memref_squeeze %dma_start3A_66 : memref<1x!tpu.dma_semaphore, #tpu.memory_space<semaphore_mem>> -> memref<!tpu.dma_semaphore, #tpu.memory_space<semaphore_mem>>
    %dma_start3A_68 = arith.constant 0 : i32
    %dma_start3A_69 = arith.constant 0 : i32
    %dma_start3A_70 = tpu.memref_slice %arg6[%dma_start3A_58, %dma_start3A_68, %dma_start3A_69] : memref<4x16x1024xf32, #tpu.memory_space<vmem>> -> memref<1x16x1024xf32, #tpu.memory_space<vmem>>
    %dma_start3A_71 = tpu.memref_squeeze %dma_start3A_70 : memref<1x16x1024xf32, #tpu.memory_space<vmem>> -> memref<16x1024xf32, #tpu.memory_space<vmem>>
    %dma_start3A_72 = arith.constant 0 : i32
    %dma_start3A_73 = tpu.memref_slice %arg2[%add3A_57, %dma_start3A_72] : memref<65536x1024xf32, #tpu.memory_space<hbm>> -> memref<16x1024xf32, #tpu.memory_space<hbm>>
    tpu.enqueue_dma source(%dma_start3A_73 : memref<16x1024xf32, #tpu.memory_space<hbm>>) target(%dma_start3A_71 : memref<16x1024xf32, #tpu.memory_space<vmem>>) target_semaphore(%dma_start3A_67 : memref<!tpu.dma_semaphore, #tpu.memory_space<semaphore_mem>>)
    %scan3A = arith.constant 0 : i32
    %scan3A_74 = arith.constant 32 : i32
    %scan3A_75 = arith.addi %scan3A, %scan3A_74 : i32
    %scan3A_76 = arith.constant 1 : i32
    scf.for %scan3A_88 = %scan3A to %scan3A_75 step %scan3A_76  : i32 {
      %mul3A_89 = arith.constant 4 : i32
      %mul3A_90 = arith.muli %scan3A_88, %mul3A_89 : i32
      %add3A_91 = arith.constant 0 : i32
      %add3A_92 = arith.addi %add3A_91, %mul3A_90 : i32
      %add3A_93 = arith.constant 0 : i32
      %add3A_94 = arith.addi %add3A_92, %add3A_93 : i32
      %mul3A_95 = arith.constant 16 : i32
      %mul3A_96 = arith.muli %add3A_94, %mul3A_95 : i32
      %add3A_97 = arith.addi %add3A, %mul3A_96 : i32
      %dma_wait3A = arith.constant 0 : i32
      %dma_wait3A_98 = arith.constant 0 : i32
      %dma_wait3A_99 = arith.constant 0 : i32
      %dma_wait3A_100 = arith.constant 0 : i32
      %dma_wait3A_101 = tpu.memref_slice %arg6[%dma_wait3A, %dma_wait3A_99, %dma_wait3A_100] : memref<4x16x1024xf32, #tpu.memory_space<vmem>> -> memref<1x16x1024xf32, #tpu.memory_space<vmem>>
      %dma_wait3A_102 = tpu.memref_squeeze %dma_wait3A_101 : memref<1x16x1024xf32, #tpu.memory_space<vmem>> -> memref<16x1024xf32, #tpu.memory_space<vmem>>
      %dma_wait3A_103 = arith.constant 0 : i32
      %dma_wait3A_104 = tpu.memref_slice %arg2[%add3A_97, %dma_wait3A_103] : memref<65536x1024xf32, #tpu.memory_space<hbm>> -> memref<16x1024xf32, #tpu.memory_space<hbm>>
      %dma_wait3A_105 = tpu.memref_slice %arg8[%dma_wait3A_98] : memref<4x!tpu.dma_semaphore, #tpu.memory_space<semaphore_mem>> -> memref<1x!tpu.dma_semaphore, #tpu.memory_space<semaphore_mem>>
      %dma_wait3A_106 = tpu.memref_squeeze %dma_wait3A_105 : memref<1x!tpu.dma_semaphore, #tpu.memory_space<semaphore_mem>> -> memref<!tpu.dma_semaphore, #tpu.memory_space<semaphore_mem>>
      %dma_wait3A_107 = arith.constant 0 : i32
      %dma_wait3A_108 = arith.constant 0 : i32
      %dma_wait3A_109 = tpu.memref_slice %arg6[%dma_wait3A, %dma_wait3A_107, %dma_wait3A_108] : memref<4x16x1024xf32, #tpu.memory_space<vmem>> -> memref<1x16x1024xf32, #tpu.memory_space<vmem>>
      %dma_wait3A_110 = tpu.memref_squeeze %dma_wait3A_109 : memref<1x16x1024xf32, #tpu.memory_space<vmem>> -> memref<16x1024xf32, #tpu.memory_space<vmem>>
      %dma_wait3A_111 = arith.constant 0 : i32
      %dma_wait3A_112 = tpu.memref_slice %arg2[%add3A_97, %dma_wait3A_111] : memref<65536x1024xf32, #tpu.memory_space<hbm>> -> memref<16x1024xf32, #tpu.memory_space<hbm>>
      tpu.wait_dma2 semaphore(%dma_wait3A_106 : memref<!tpu.dma_semaphore, #tpu.memory_space<semaphore_mem>>) src(%dma_wait3A_112 : memref<16x1024xf32, #tpu.memory_space<hbm>>) dst(%dma_wait3A_110 : memref<16x1024xf32, #tpu.memory_space<vmem>>)
      %mul3A_113 = arith.constant 16 : i32
      %mul3A_114 = arith.muli %add3A_94, %mul3A_113 : i32
      %add3A_115 = arith.addi %add3A, %mul3A_114 : i32
      %dma_start3A_116 = arith.constant 0 : i32
      %dma_start3A_117 = arith.constant 0 : i32
      %dma_start3A_118 = arith.constant 0 : i32
      %dma_start3A_119 = arith.constant 0 : i32
      %dma_start3A_120 = tpu.memref_slice %arg6[%dma_start3A_116, %dma_start3A_118, %dma_start3A_119] : memref<4x16x1024xf32, #tpu.memory_space<vmem>> -> memref<1x16x1024xf32, #tpu.memory_space<vmem>>
      %dma_start3A_121 = tpu.memref_squeeze %dma_start3A_120 : memref<1x16x1024xf32, #tpu.memory_space<vmem>> -> memref<16x1024xf32, #tpu.memory_space<vmem>>
      %dma_start3A_122 = arith.constant 0 : i32
      %dma_start3A_123 = tpu.memref_slice %arg5[%add3A_115, %dma_start3A_122] : memref<65536x1024xf32, #tpu.memory_space<hbm>> -> memref<16x1024xf32, #tpu.memory_space<hbm>>
      %dma_start3A_124 = tpu.memref_slice %arg9[%dma_start3A_117] : memref<4x!tpu.dma_semaphore, #tpu.memory_space<semaphore_mem>> -> memref<1x!tpu.dma_semaphore, #tpu.memory_space<semaphore_mem>>
      %dma_start3A_125 = tpu.memref_squeeze %dma_start3A_124 : memref<1x!tpu.dma_semaphore, #tpu.memory_space<semaphore_mem>> -> memref<!tpu.dma_semaphore, #tpu.memory_space<semaphore_mem>>
      %dma_start3A_126 = arith.constant 0 : i32
      %dma_start3A_127 = tpu.memref_slice %arg5[%add3A_115, %dma_start3A_126] : memref<65536x1024xf32, #tpu.memory_space<hbm>> -> memref<16x1024xf32, #tpu.memory_space<hbm>>
      %dma_start3A_128 = arith.constant 0 : i32
      %dma_start3A_129 = arith.constant 0 : i32
      %dma_start3A_130 = tpu.memref_slice %arg6[%dma_start3A_116, %dma_start3A_128, %dma_start3A_129] : memref<4x16x1024xf32, #tpu.memory_space<vmem>> -> memref<1x16x1024xf32, #tpu.memory_space<vmem>>
      %dma_start3A_131 = tpu.memref_squeeze %dma_start3A_130 : memref<1x16x1024xf32, #tpu.memory_space<vmem>> -> memref<16x1024xf32, #tpu.memory_space<vmem>>
      tpu.enqueue_dma source(%dma_start3A_131 : memref<16x1024xf32, #tpu.memory_space<vmem>>) target(%dma_start3A_127 : memref<16x1024xf32, #tpu.memory_space<hbm>>) target_semaphore(%dma_start3A_125 : memref<!tpu.dma_semaphore, #tpu.memory_space<semaphore_mem>>)
      %mul3A_132 = arith.constant 16 : i32
      %mul3A_133 = arith.muli %add3A_94, %mul3A_132 : i32
      %add3A_134 = arith.addi %add3A, %mul3A_133 : i32
      %dma_wait3A_135 = arith.constant 0 : i32
      %dma_wait3A_136 = arith.constant 0 : i32
      %dma_wait3A_137 = arith.constant 0 : i32
      %dma_wait3A_138 = arith.constant 0 : i32
      %dma_wait3A_139 = tpu.memref_slice %arg6[%dma_wait3A_135, %dma_wait3A_137, %dma_wait3A_138] : memref<4x16x1024xf32, #tpu.memory_space<vmem>> -> memref<1x16x1024xf32, #tpu.memory_space<vmem>>
      %dma_wait3A_140 = tpu.memref_squeeze %dma_wait3A_139 : memref<1x16x1024xf32, #tpu.memory_space<vmem>> -> memref<16x1024xf32, #tpu.memory_space<vmem>>
      %dma_wait3A_141 = arith.constant 0 : i32
      %dma_wait3A_142 = tpu.memref_slice %arg5[%add3A_134, %dma_wait3A_141] : memref<65536x1024xf32, #tpu.memory_space<hbm>> -> memref<16x1024xf32, #tpu.memory_space<hbm>>
      %dma_wait3A_143 = tpu.memref_slice %arg9[%dma_wait3A_136] : memref<4x!tpu.dma_semaphore, #tpu.memory_space<semaphore_mem>> -> memref<1x!tpu.dma_semaphore, #tpu.memory_space<semaphore_mem>>
      %dma_wait3A_144 = tpu.memref_squeeze %dma_wait3A_143 : memref<1x!tpu.dma_semaphore, #tpu.memory_space<semaphore_mem>> -> memref<!tpu.dma_semaphore, #tpu.memory_space<semaphore_mem>>
      %dma_wait3A_145 = arith.constant 0 : i32
      %dma_wait3A_146 = tpu.memref_slice %arg5[%add3A_134, %dma_wait3A_145] : memref<65536x1024xf32, #tpu.memory_space<hbm>> -> memref<16x1024xf32, #tpu.memory_space<hbm>>
      %dma_wait3A_147 = arith.constant 0 : i32
      %dma_wait3A_148 = arith.constant 0 : i32
      %dma_wait3A_149 = tpu.memref_slice %arg6[%dma_wait3A_135, %dma_wait3A_147, %dma_wait3A_148] : memref<4x16x1024xf32, #tpu.memory_space<vmem>> -> memref<1x16x1024xf32, #tpu.memory_space<vmem>>
      %dma_wait3A_150 = tpu.memref_squeeze %dma_wait3A_149 : memref<1x16x1024xf32, #tpu.memory_space<vmem>> -> memref<16x1024xf32, #tpu.memory_space<vmem>>
      tpu.wait_dma2 semaphore(%dma_wait3A_144 : memref<!tpu.dma_semaphore, #tpu.memory_space<semaphore_mem>>) src(%dma_wait3A_150 : memref<16x1024xf32, #tpu.memory_space<vmem>>) dst(%dma_wait3A_146 : memref<16x1024xf32, #tpu.memory_space<hbm>>)
      %add3A_151 = arith.constant 4 : i32
      %add3A_152 = arith.addi %add3A_94, %add3A_151 : i32
      %lt3A = arith.constant 128 : i32
      %lt3A_153 = arith.cmpi slt, %add3A_152, %lt3A : i32
      %convert_element_type3A = arith.extui %lt3A_153 : i1 to i32
      %cond3A = arith.constant 0 : i32
      %cond3A_154 = arith.cmpi ne, %convert_element_type3A, %cond3A : i32
      scf.if %cond3A_154 {
        %mul3A_353 = arith.constant 16 : i32
        %mul3A_354 = arith.muli %add3A_152, %mul3A_353 : i32
        %add3A_355 = arith.addi %add3A, %mul3A_354 : i32
        %dma_start3A_356 = arith.constant 0 : i32
        %dma_start3A_357 = arith.constant 0 : i32
        %dma_start3A_358 = arith.constant 0 : i32
        %dma_start3A_359 = arith.constant 0 : i32
        %dma_start3A_360 = tpu.memref_slice %arg6[%dma_start3A_356, %dma_start3A_358, %dma_start3A_359] : memref<4x16x1024xf32, #tpu.memory_space<vmem>> -> memref<1x16x1024xf32, #tpu.memory_space<vmem>>
        %dma_start3A_361 = tpu.memref_squeeze %dma_start3A_360 : memref<1x16x1024xf32, #tpu.memory_space<vmem>> -> memref<16x1024xf32, #tpu.memory_space<vmem>>
        %dma_start3A_362 = arith.constant 0 : i32
        %dma_start3A_363 = tpu.memref_slice %arg2[%add3A_355, %dma_start3A_362] : memref<65536x1024xf32, #tpu.memory_space<hbm>> -> memref<16x1024xf32, #tpu.memory_space<hbm>>
        %dma_start3A_364 = tpu.memref_slice %arg8[%dma_start3A_357] : memref<4x!tpu.dma_semaphore, #tpu.memory_space<semaphore_mem>> -> memref<1x!tpu.dma_semaphore, #tpu.memory_space<semaphore_mem>>
        %dma_start3A_365 = tpu.memref_squeeze %dma_start3A_364 : memref<1x!tpu.dma_semaphore, #tpu.memory_space<semaphore_mem>> -> memref<!tpu.dma_semaphore, #tpu.memory_space<semaphore_mem>>
        %dma_start3A_366 = arith.constant 0 : i32
        %dma_start3A_367 = arith.constant 0 : i32
        %dma_start3A_368 = tpu.memref_slice %arg6[%dma_start3A_356, %dma_start3A_366, %dma_start3A_367] : memref<4x16x1024xf32, #tpu.memory_space<vmem>> -> memref<1x16x1024xf32, #tpu.memory_space<vmem>>
        %dma_start3A_369 = tpu.memref_squeeze %dma_start3A_368 : memref<1x16x1024xf32, #tpu.memory_space<vmem>> -> memref<16x1024xf32, #tpu.memory_space<vmem>>
        %dma_start3A_370 = arith.constant 0 : i32
        %dma_start3A_371 = tpu.memref_slice %arg2[%add3A_355, %dma_start3A_370] : memref<65536x1024xf32, #tpu.memory_space<hbm>> -> memref<16x1024xf32, #tpu.memory_space<hbm>>
        tpu.enqueue_dma source(%dma_start3A_371 : memref<16x1024xf32, #tpu.memory_space<hbm>>) target(%dma_start3A_369 : memref<16x1024xf32, #tpu.memory_space<vmem>>) target_semaphore(%dma_start3A_365 : memref<!tpu.dma_semaphore, #tpu.memory_space<semaphore_mem>>)
      } else {
      }
      %add3A_155 = arith.constant 1 : i32
      %add3A_156 = arith.addi %add3A_92, %add3A_155 : i32
      %mul3A_157 = arith.constant 16 : i32
      %mul3A_158 = arith.muli %add3A_156, %mul3A_157 : i32
      %add3A_159 = arith.addi %add3A, %mul3A_158 : i32
      %dma_wait3A_160 = arith.constant 1 : i32
      %dma_wait3A_161 = arith.constant 1 : i32
      %dma_wait3A_162 = arith.constant 0 : i32
      %dma_wait3A_163 = arith.constant 0 : i32
      %dma_wait3A_164 = tpu.memref_slice %arg6[%dma_wait3A_160, %dma_wait3A_162, %dma_wait3A_163] : memref<4x16x1024xf32, #tpu.memory_space<vmem>> -> memref<1x16x1024xf32, #tpu.memory_space<vmem>>
      %dma_wait3A_165 = tpu.memref_squeeze %dma_wait3A_164 : memref<1x16x1024xf32, #tpu.memory_space<vmem>> -> memref<16x1024xf32, #tpu.memory_space<vmem>>
      %dma_wait3A_166 = arith.constant 0 : i32
      %dma_wait3A_167 = tpu.memref_slice %arg2[%add3A_159, %dma_wait3A_166] : memref<65536x1024xf32, #tpu.memory_space<hbm>> -> memref<16x1024xf32, #tpu.memory_space<hbm>>
      %dma_wait3A_168 = tpu.memref_slice %arg8[%dma_wait3A_161] : memref<4x!tpu.dma_semaphore, #tpu.memory_space<semaphore_mem>> -> memref<1x!tpu.dma_semaphore, #tpu.memory_space<semaphore_mem>>
      %dma_wait3A_169 = tpu.memref_squeeze %dma_wait3A_168 : memref<1x!tpu.dma_semaphore, #tpu.memory_space<semaphore_mem>> -> memref<!tpu.dma_semaphore, #tpu.memory_space<semaphore_mem>>
      %dma_wait3A_170 = arith.constant 0 : i32
      %dma_wait3A_171 = arith.constant 0 : i32
      %dma_wait3A_172 = tpu.memref_slice %arg6[%dma_wait3A_160, %dma_wait3A_170, %dma_wait3A_171] : memref<4x16x1024xf32, #tpu.memory_space<vmem>> -> memref<1x16x1024xf32, #tpu.memory_space<vmem>>
      %dma_wait3A_173 = tpu.memref_squeeze %dma_wait3A_172 : memref<1x16x1024xf32, #tpu.memory_space<vmem>> -> memref<16x1024xf32, #tpu.memory_space<vmem>>
      %dma_wait3A_174 = arith.constant 0 : i32
      %dma_wait3A_175 = tpu.memref_slice %arg2[%add3A_159, %dma_wait3A_174] : memref<65536x1024xf32, #tpu.memory_space<hbm>> -> memref<16x1024xf32, #tpu.memory_space<hbm>>
      tpu.wait_dma2 semaphore(%dma_wait3A_169 : memref<!tpu.dma_semaphore, #tpu.memory_space<semaphore_mem>>) src(%dma_wait3A_175 : memref<16x1024xf32, #tpu.memory_space<hbm>>) dst(%dma_wait3A_173 : memref<16x1024xf32, #tpu.memory_space<vmem>>)
      %mul3A_176 = arith.constant 16 : i32
      %mul3A_177 = arith.muli %add3A_156, %mul3A_176 : i32
      %add3A_178 = arith.addi %add3A, %mul3A_177 : i32
      %dma_start3A_179 = arith.constant 1 : i32
      %dma_start3A_180 = arith.constant 1 : i32
      %dma_start3A_181 = arith.constant 0 : i32
      %dma_start3A_182 = arith.constant 0 : i32
      %dma_start3A_183 = tpu.memref_slice %arg6[%dma_start3A_179, %dma_start3A_181, %dma_start3A_182] : memref<4x16x1024xf32, #tpu.memory_space<vmem>> -> memref<1x16x1024xf32, #tpu.memory_space<vmem>>
      %dma_start3A_184 = tpu.memref_squeeze %dma_start3A_183 : memref<1x16x1024xf32, #tpu.memory_space<vmem>> -> memref<16x1024xf32, #tpu.memory_space<vmem>>
      %dma_start3A_185 = arith.constant 0 : i32
      %dma_start3A_186 = tpu.memref_slice %arg5[%add3A_178, %dma_start3A_185] : memref<65536x1024xf32, #tpu.memory_space<hbm>> -> memref<16x1024xf32, #tpu.memory_space<hbm>>
      %dma_start3A_187 = tpu.memref_slice %arg9[%dma_start3A_180] : memref<4x!tpu.dma_semaphore, #tpu.memory_space<semaphore_mem>> -> memref<1x!tpu.dma_semaphore, #tpu.memory_space<semaphore_mem>>
      %dma_start3A_188 = tpu.memref_squeeze %dma_start3A_187 : memref<1x!tpu.dma_semaphore, #tpu.memory_space<semaphore_mem>> -> memref<!tpu.dma_semaphore, #tpu.memory_space<semaphore_mem>>
      %dma_start3A_189 = arith.constant 0 : i32
      %dma_start3A_190 = tpu.memref_slice %arg5[%add3A_178, %dma_start3A_189] : memref<65536x1024xf32, #tpu.memory_space<hbm>> -> memref<16x1024xf32, #tpu.memory_space<hbm>>
      %dma_start3A_191 = arith.constant 0 : i32
      %dma_start3A_192 = arith.constant 0 : i32
      %dma_start3A_193 = tpu.memref_slice %arg6[%dma_start3A_179, %dma_start3A_191, %dma_start3A_192] : memref<4x16x1024xf32, #tpu.memory_space<vmem>> -> memref<1x16x1024xf32, #tpu.memory_space<vmem>>
      %dma_start3A_194 = tpu.memref_squeeze %dma_start3A_193 : memref<1x16x1024xf32, #tpu.memory_space<vmem>> -> memref<16x1024xf32, #tpu.memory_space<vmem>>
      tpu.enqueue_dma source(%dma_start3A_194 : memref<16x1024xf32, #tpu.memory_space<vmem>>) target(%dma_start3A_190 : memref<16x1024xf32, #tpu.memory_space<hbm>>) target_semaphore(%dma_start3A_188 : memref<!tpu.dma_semaphore, #tpu.memory_space<semaphore_mem>>)
      %mul3A_195 = arith.constant 16 : i32
      %mul3A_196 = arith.muli %add3A_156, %mul3A_195 : i32
      %add3A_197 = arith.addi %add3A, %mul3A_196 : i32
      %dma_wait3A_198 = arith.constant 1 : i32
      %dma_wait3A_199 = arith.constant 1 : i32
      %dma_wait3A_200 = arith.constant 0 : i32
      %dma_wait3A_201 = arith.constant 0 : i32
      %dma_wait3A_202 = tpu.memref_slice %arg6[%dma_wait3A_198, %dma_wait3A_200, %dma_wait3A_201] : memref<4x16x1024xf32, #tpu.memory_space<vmem>> -> memref<1x16x1024xf32, #tpu.memory_space<vmem>>
      %dma_wait3A_203 = tpu.memref_squeeze %dma_wait3A_202 : memref<1x16x1024xf32, #tpu.memory_space<vmem>> -> memref<16x1024xf32, #tpu.memory_space<vmem>>
      %dma_wait3A_204 = arith.constant 0 : i32
      %dma_wait3A_205 = tpu.memref_slice %arg5[%add3A_197, %dma_wait3A_204] : memref<65536x1024xf32, #tpu.memory_space<hbm>> -> memref<16x1024xf32, #tpu.memory_space<hbm>>
      %dma_wait3A_206 = tpu.memref_slice %arg9[%dma_wait3A_199] : memref<4x!tpu.dma_semaphore, #tpu.memory_space<semaphore_mem>> -> memref<1x!tpu.dma_semaphore, #tpu.memory_space<semaphore_mem>>
      %dma_wait3A_207 = tpu.memref_squeeze %dma_wait3A_206 : memref<1x!tpu.dma_semaphore, #tpu.memory_space<semaphore_mem>> -> memref<!tpu.dma_semaphore, #tpu.memory_space<semaphore_mem>>
      %dma_wait3A_208 = arith.constant 0 : i32
      %dma_wait3A_209 = tpu.memref_slice %arg5[%add3A_197, %dma_wait3A_208] : memref<65536x1024xf32, #tpu.memory_space<hbm>> -> memref<16x1024xf32, #tpu.memory_space<hbm>>
      %dma_wait3A_210 = arith.constant 0 : i32
      %dma_wait3A_211 = arith.constant 0 : i32
      %dma_wait3A_212 = tpu.memref_slice %arg6[%dma_wait3A_198, %dma_wait3A_210, %dma_wait3A_211] : memref<4x16x1024xf32, #tpu.memory_space<vmem>> -> memref<1x16x1024xf32, #tpu.memory_space<vmem>>
      %dma_wait3A_213 = tpu.memref_squeeze %dma_wait3A_212 : memref<1x16x1024xf32, #tpu.memory_space<vmem>> -> memref<16x1024xf32, #tpu.memory_space<vmem>>
      tpu.wait_dma2 semaphore(%dma_wait3A_207 : memref<!tpu.dma_semaphore, #tpu.memory_space<semaphore_mem>>) src(%dma_wait3A_213 : memref<16x1024xf32, #tpu.memory_space<vmem>>) dst(%dma_wait3A_209 : memref<16x1024xf32, #tpu.memory_space<hbm>>)
      %add3A_214 = arith.constant 4 : i32
      %add3A_215 = arith.addi %add3A_156, %add3A_214 : i32
      %lt3A_216 = arith.constant 128 : i32
      %lt3A_217 = arith.cmpi slt, %add3A_215, %lt3A_216 : i32
      %convert_element_type3A_218 = arith.extui %lt3A_217 : i1 to i32
      %cond3A_219 = arith.constant 0 : i32
      %cond3A_220 = arith.cmpi ne, %convert_element_type3A_218, %cond3A_219 : i32
      scf.if %cond3A_220 {
        %mul3A_353 = arith.constant 16 : i32
        %mul3A_354 = arith.muli %add3A_215, %mul3A_353 : i32
        %add3A_355 = arith.addi %add3A, %mul3A_354 : i32
        %dma_start3A_356 = arith.constant 1 : i32
        %dma_start3A_357 = arith.constant 1 : i32
        %dma_start3A_358 = arith.constant 0 : i32
        %dma_start3A_359 = arith.constant 0 : i32
        %dma_start3A_360 = tpu.memref_slice %arg6[%dma_start3A_356, %dma_start3A_358, %dma_start3A_359] : memref<4x16x1024xf32, #tpu.memory_space<vmem>> -> memref<1x16x1024xf32, #tpu.memory_space<vmem>>
        %dma_start3A_361 = tpu.memref_squeeze %dma_start3A_360 : memref<1x16x1024xf32, #tpu.memory_space<vmem>> -> memref<16x1024xf32, #tpu.memory_space<vmem>>
        %dma_start3A_362 = arith.constant 0 : i32
        %dma_start3A_363 = tpu.memref_slice %arg2[%add3A_355, %dma_start3A_362] : memref<65536x1024xf32, #tpu.memory_space<hbm>> -> memref<16x1024xf32, #tpu.memory_space<hbm>>
        %dma_start3A_364 = tpu.memref_slice %arg8[%dma_start3A_357] : memref<4x!tpu.dma_semaphore, #tpu.memory_space<semaphore_mem>> -> memref<1x!tpu.dma_semaphore, #tpu.memory_space<semaphore_mem>>
        %dma_start3A_365 = tpu.memref_squeeze %dma_start3A_364 : memref<1x!tpu.dma_semaphore, #tpu.memory_space<semaphore_mem>> -> memref<!tpu.dma_semaphore, #tpu.memory_space<semaphore_mem>>
        %dma_start3A_366 = arith.constant 0 : i32
        %dma_start3A_367 = arith.constant 0 : i32
        %dma_start3A_368 = tpu.memref_slice %arg6[%dma_start3A_356, %dma_start3A_366, %dma_start3A_367] : memref<4x16x1024xf32, #tpu.memory_space<vmem>> -> memref<1x16x1024xf32, #tpu.memory_space<vmem>>
        %dma_start3A_369 = tpu.memref_squeeze %dma_start3A_368 : memref<1x16x1024xf32, #tpu.memory_space<vmem>> -> memref<16x1024xf32, #tpu.memory_space<vmem>>
        %dma_start3A_370 = arith.constant 0 : i32
        %dma_start3A_371 = tpu.memref_slice %arg2[%add3A_355, %dma_start3A_370] : memref<65536x1024xf32, #tpu.memory_space<hbm>> -> memref<16x1024xf32, #tpu.memory_space<hbm>>
        tpu.enqueue_dma source(%dma_start3A_371 : memref<16x1024xf32, #tpu.memory_space<hbm>>) target(%dma_start3A_369 : memref<16x1024xf32, #tpu.memory_space<vmem>>) target_semaphore(%dma_start3A_365 : memref<!tpu.dma_semaphore, #tpu.memory_space<semaphore_mem>>)
      } else {
      }
      %add3A_221 = arith.constant 2 : i32
      %add3A_222 = arith.addi %add3A_92, %add3A_221 : i32
      %mul3A_223 = arith.constant 16 : i32
      %mul3A_224 = arith.muli %add3A_222, %mul3A_223 : i32
      %add3A_225 = arith.addi %add3A, %mul3A_224 : i32
      %dma_wait3A_226 = arith.constant 2 : i32
      %dma_wait3A_227 = arith.constant 2 : i32
      %dma_wait3A_228 = arith.constant 0 : i32
      %dma_wait3A_229 = arith.constant 0 : i32
      %dma_wait3A_230 = tpu.memref_slice %arg6[%dma_wait3A_226, %dma_wait3A_228, %dma_wait3A_229] : memref<4x16x1024xf32, #tpu.memory_space<vmem>> -> memref<1x16x1024xf32, #tpu.memory_space<vmem>>
      %dma_wait3A_231 = tpu.memref_squeeze %dma_wait3A_230 : memref<1x16x1024xf32, #tpu.memory_space<vmem>> -> memref<16x1024xf32, #tpu.memory_space<vmem>>
      %dma_wait3A_232 = arith.constant 0 : i32
      %dma_wait3A_233 = tpu.memref_slice %arg2[%add3A_225, %dma_wait3A_232] : memref<65536x1024xf32, #tpu.memory_space<hbm>> -> memref<16x1024xf32, #tpu.memory_space<hbm>>
      %dma_wait3A_234 = tpu.memref_slice %arg8[%dma_wait3A_227] : memref<4x!tpu.dma_semaphore, #tpu.memory_space<semaphore_mem>> -> memref<1x!tpu.dma_semaphore, #tpu.memory_space<semaphore_mem>>
      %dma_wait3A_235 = tpu.memref_squeeze %dma_wait3A_234 : memref<1x!tpu.dma_semaphore, #tpu.memory_space<semaphore_mem>> -> memref<!tpu.dma_semaphore, #tpu.memory_space<semaphore_mem>>
      %dma_wait3A_236 = arith.constant 0 : i32
      %dma_wait3A_237 = arith.constant 0 : i32
      %dma_wait3A_238 = tpu.memref_slice %arg6[%dma_wait3A_226, %dma_wait3A_236, %dma_wait3A_237] : memref<4x16x1024xf32, #tpu.memory_space<vmem>> -> memref<1x16x1024xf32, #tpu.memory_space<vmem>>
      %dma_wait3A_239 = tpu.memref_squeeze %dma_wait3A_238 : memref<1x16x1024xf32, #tpu.memory_space<vmem>> -> memref<16x1024xf32, #tpu.memory_space<vmem>>
      %dma_wait3A_240 = arith.constant 0 : i32
      %dma_wait3A_241 = tpu.memref_slice %arg2[%add3A_225, %dma_wait3A_240] : memref<65536x1024xf32, #tpu.memory_space<hbm>> -> memref<16x1024xf32, #tpu.memory_space<hbm>>
      tpu.wait_dma2 semaphore(%dma_wait3A_235 : memref<!tpu.dma_semaphore, #tpu.memory_space<semaphore_mem>>) src(%dma_wait3A_241 : memref<16x1024xf32, #tpu.memory_space<hbm>>) dst(%dma_wait3A_239 : memref<16x1024xf32, #tpu.memory_space<vmem>>)
      %mul3A_242 = arith.constant 16 : i32
      %mul3A_243 = arith.muli %add3A_222, %mul3A_242 : i32
      %add3A_244 = arith.addi %add3A, %mul3A_243 : i32
      %dma_start3A_245 = arith.constant 2 : i32
      %dma_start3A_246 = arith.constant 2 : i32
      %dma_start3A_247 = arith.constant 0 : i32
      %dma_start3A_248 = arith.constant 0 : i32
      %dma_start3A_249 = tpu.memref_slice %arg6[%dma_start3A_245, %dma_start3A_247, %dma_start3A_248] : memref<4x16x1024xf32, #tpu.memory_space<vmem>> -> memref<1x16x1024xf32, #tpu.memory_space<vmem>>
      %dma_start3A_250 = tpu.memref_squeeze %dma_start3A_249 : memref<1x16x1024xf32, #tpu.memory_space<vmem>> -> memref<16x1024xf32, #tpu.memory_space<vmem>>
      %dma_start3A_251 = arith.constant 0 : i32
      %dma_start3A_252 = tpu.memref_slice %arg5[%add3A_244, %dma_start3A_251] : memref<65536x1024xf32, #tpu.memory_space<hbm>> -> memref<16x1024xf32, #tpu.memory_space<hbm>>
      %dma_start3A_253 = tpu.memref_slice %arg9[%dma_start3A_246] : memref<4x!tpu.dma_semaphore, #tpu.memory_space<semaphore_mem>> -> memref<1x!tpu.dma_semaphore, #tpu.memory_space<semaphore_mem>>
      %dma_start3A_254 = tpu.memref_squeeze %dma_start3A_253 : memref<1x!tpu.dma_semaphore, #tpu.memory_space<semaphore_mem>> -> memref<!tpu.dma_semaphore, #tpu.memory_space<semaphore_mem>>
      %dma_start3A_255 = arith.constant 0 : i32
      %dma_start3A_256 = tpu.memref_slice %arg5[%add3A_244, %dma_start3A_255] : memref<65536x1024xf32, #tpu.memory_space<hbm>> -> memref<16x1024xf32, #tpu.memory_space<hbm>>
      %dma_start3A_257 = arith.constant 0 : i32
      %dma_start3A_258 = arith.constant 0 : i32
      %dma_start3A_259 = tpu.memref_slice %arg6[%dma_start3A_245, %dma_start3A_257, %dma_start3A_258] : memref<4x16x1024xf32, #tpu.memory_space<vmem>> -> memref<1x16x1024xf32, #tpu.memory_space<vmem>>
      %dma_start3A_260 = tpu.memref_squeeze %dma_start3A_259 : memref<1x16x1024xf32, #tpu.memory_space<vmem>> -> memref<16x1024xf32, #tpu.memory_space<vmem>>
      tpu.enqueue_dma source(%dma_start3A_260 : memref<16x1024xf32, #tpu.memory_space<vmem>>) target(%dma_start3A_256 : memref<16x1024xf32, #tpu.memory_space<hbm>>) target_semaphore(%dma_start3A_254 : memref<!tpu.dma_semaphore, #tpu.memory_space<semaphore_mem>>)
      %mul3A_261 = arith.constant 16 : i32
      %mul3A_262 = arith.muli %add3A_222, %mul3A_261 : i32
      %add3A_263 = arith.addi %add3A, %mul3A_262 : i32
      %dma_wait3A_264 = arith.constant 2 : i32
      %dma_wait3A_265 = arith.constant 2 : i32
      %dma_wait3A_266 = arith.constant 0 : i32
      %dma_wait3A_267 = arith.constant 0 : i32
      %dma_wait3A_268 = tpu.memref_slice %arg6[%dma_wait3A_264, %dma_wait3A_266, %dma_wait3A_267] : memref<4x16x1024xf32, #tpu.memory_space<vmem>> -> memref<1x16x1024xf32, #tpu.memory_space<vmem>>
      %dma_wait3A_269 = tpu.memref_squeeze %dma_wait3A_268 : memref<1x16x1024xf32, #tpu.memory_space<vmem>> -> memref<16x1024xf32, #tpu.memory_space<vmem>>
      %dma_wait3A_270 = arith.constant 0 : i32
      %dma_wait3A_271 = tpu.memref_slice %arg5[%add3A_263, %dma_wait3A_270] : memref<65536x1024xf32, #tpu.memory_space<hbm>> -> memref<16x1024xf32, #tpu.memory_space<hbm>>
      %dma_wait3A_272 = tpu.memref_slice %arg9[%dma_wait3A_265] : memref<4x!tpu.dma_semaphore, #tpu.memory_space<semaphore_mem>> -> memref<1x!tpu.dma_semaphore, #tpu.memory_space<semaphore_mem>>
      %dma_wait3A_273 = tpu.memref_squeeze %dma_wait3A_272 : memref<1x!tpu.dma_semaphore, #tpu.memory_space<semaphore_mem>> -> memref<!tpu.dma_semaphore, #tpu.memory_space<semaphore_mem>>
      %dma_wait3A_274 = arith.constant 0 : i32
      %dma_wait3A_275 = tpu.memref_slice %arg5[%add3A_263, %dma_wait3A_274] : memref<65536x1024xf32, #tpu.memory_space<hbm>> -> memref<16x1024xf32, #tpu.memory_space<hbm>>
      %dma_wait3A_276 = arith.constant 0 : i32
      %dma_wait3A_277 = arith.constant 0 : i32
      %dma_wait3A_278 = tpu.memref_slice %arg6[%dma_wait3A_264, %dma_wait3A_276, %dma_wait3A_277] : memref<4x16x1024xf32, #tpu.memory_space<vmem>> -> memref<1x16x1024xf32, #tpu.memory_space<vmem>>
      %dma_wait3A_279 = tpu.memref_squeeze %dma_wait3A_278 : memref<1x16x1024xf32, #tpu.memory_space<vmem>> -> memref<16x1024xf32, #tpu.memory_space<vmem>>
      tpu.wait_dma2 semaphore(%dma_wait3A_273 : memref<!tpu.dma_semaphore, #tpu.memory_space<semaphore_mem>>) src(%dma_wait3A_279 : memref<16x1024xf32, #tpu.memory_space<vmem>>) dst(%dma_wait3A_275 : memref<16x1024xf32, #tpu.memory_space<hbm>>)
      %add3A_280 = arith.constant 4 : i32
      %add3A_281 = arith.addi %add3A_222, %add3A_280 : i32
      %lt3A_282 = arith.constant 128 : i32
      %lt3A_283 = arith.cmpi slt, %add3A_281, %lt3A_282 : i32
      %convert_element_type3A_284 = arith.extui %lt3A_283 : i1 to i32
      %cond3A_285 = arith.constant 0 : i32
      %cond3A_286 = arith.cmpi ne, %convert_element_type3A_284, %cond3A_285 : i32
      scf.if %cond3A_286 {
        %mul3A_353 = arith.constant 16 : i32
        %mul3A_354 = arith.muli %add3A_281, %mul3A_353 : i32
        %add3A_355 = arith.addi %add3A, %mul3A_354 : i32
        %dma_start3A_356 = arith.constant 2 : i32
        %dma_start3A_357 = arith.constant 2 : i32
        %dma_start3A_358 = arith.constant 0 : i32
        %dma_start3A_359 = arith.constant 0 : i32
        %dma_start3A_360 = tpu.memref_slice %arg6[%dma_start3A_356, %dma_start3A_358, %dma_start3A_359] : memref<4x16x1024xf32, #tpu.memory_space<vmem>> -> memref<1x16x1024xf32, #tpu.memory_space<vmem>>
        %dma_start3A_361 = tpu.memref_squeeze %dma_start3A_360 : memref<1x16x1024xf32, #tpu.memory_space<vmem>> -> memref<16x1024xf32, #tpu.memory_space<vmem>>
        %dma_start3A_362 = arith.constant 0 : i32
        %dma_start3A_363 = tpu.memref_slice %arg2[%add3A_355, %dma_start3A_362] : memref<65536x1024xf32, #tpu.memory_space<hbm>> -> memref<16x1024xf32, #tpu.memory_space<hbm>>
        %dma_start3A_364 = tpu.memref_slice %arg8[%dma_start3A_357] : memref<4x!tpu.dma_semaphore, #tpu.memory_space<semaphore_mem>> -> memref<1x!tpu.dma_semaphore, #tpu.memory_space<semaphore_mem>>
        %dma_start3A_365 = tpu.memref_squeeze %dma_start3A_364 : memref<1x!tpu.dma_semaphore, #tpu.memory_space<semaphore_mem>> -> memref<!tpu.dma_semaphore, #tpu.memory_space<semaphore_mem>>
        %dma_start3A_366 = arith.constant 0 : i32
        %dma_start3A_367 = arith.constant 0 : i32
        %dma_start3A_368 = tpu.memref_slice %arg6[%dma_start3A_356, %dma_start3A_366, %dma_start3A_367] : memref<4x16x1024xf32, #tpu.memory_space<vmem>> -> memref<1x16x1024xf32, #tpu.memory_space<vmem>>
        %dma_start3A_369 = tpu.memref_squeeze %dma_start3A_368 : memref<1x16x1024xf32, #tpu.memory_space<vmem>> -> memref<16x1024xf32, #tpu.memory_space<vmem>>
        %dma_start3A_370 = arith.constant 0 : i32
        %dma_start3A_371 = tpu.memref_slice %arg2[%add3A_355, %dma_start3A_370] : memref<65536x1024xf32, #tpu.memory_space<hbm>> -> memref<16x1024xf32, #tpu.memory_space<hbm>>
        tpu.enqueue_dma source(%dma_start3A_371 : memref<16x1024xf32, #tpu.memory_space<hbm>>) target(%dma_start3A_369 : memref<16x1024xf32, #tpu.memory_space<vmem>>) target_semaphore(%dma_start3A_365 : memref<!tpu.dma_semaphore, #tpu.memory_space<semaphore_mem>>)
      } else {
      }
      %add3A_287 = arith.constant 3 : i32
      %add3A_288 = arith.addi %add3A_92, %add3A_287 : i32
      %mul3A_289 = arith.constant 16 : i32
      %mul3A_290 = arith.muli %add3A_288, %mul3A_289 : i32
      %add3A_291 = arith.addi %add3A, %mul3A_290 : i32
      %dma_wait3A_292 = arith.constant 3 : i32
      %dma_wait3A_293 = arith.constant 3 : i32
      %dma_wait3A_294 = arith.constant 0 : i32
      %dma_wait3A_295 = arith.constant 0 : i32
      %dma_wait3A_296 = tpu.memref_slice %arg6[%dma_wait3A_292, %dma_wait3A_294, %dma_wait3A_295] : memref<4x16x1024xf32, #tpu.memory_space<vmem>> -> memref<1x16x1024xf32, #tpu.memory_space<vmem>>
      %dma_wait3A_297 = tpu.memref_squeeze %dma_wait3A_296 : memref<1x16x1024xf32, #tpu.memory_space<vmem>> -> memref<16x1024xf32, #tpu.memory_space<vmem>>
      %dma_wait3A_298 = arith.constant 0 : i32
      %dma_wait3A_299 = tpu.memref_slice %arg2[%add3A_291, %dma_wait3A_298] : memref<65536x1024xf32, #tpu.memory_space<hbm>> -> memref<16x1024xf32, #tpu.memory_space<hbm>>
      %dma_wait3A_300 = tpu.memref_slice %arg8[%dma_wait3A_293] : memref<4x!tpu.dma_semaphore, #tpu.memory_space<semaphore_mem>> -> memref<1x!tpu.dma_semaphore, #tpu.memory_space<semaphore_mem>>
      %dma_wait3A_301 = tpu.memref_squeeze %dma_wait3A_300 : memref<1x!tpu.dma_semaphore, #tpu.memory_space<semaphore_mem>> -> memref<!tpu.dma_semaphore, #tpu.memory_space<semaphore_mem>>
      %dma_wait3A_302 = arith.constant 0 : i32
      %dma_wait3A_303 = arith.constant 0 : i32
      %dma_wait3A_304 = tpu.memref_slice %arg6[%dma_wait3A_292, %dma_wait3A_302, %dma_wait3A_303] : memref<4x16x1024xf32, #tpu.memory_space<vmem>> -> memref<1x16x1024xf32, #tpu.memory_space<vmem>>
      %dma_wait3A_305 = tpu.memref_squeeze %dma_wait3A_304 : memref<1x16x1024xf32, #tpu.memory_space<vmem>> -> memref<16x1024xf32, #tpu.memory_space<vmem>>
      %dma_wait3A_306 = arith.constant 0 : i32
      %dma_wait3A_307 = tpu.memref_slice %arg2[%add3A_291, %dma_wait3A_306] : memref<65536x1024xf32, #tpu.memory_space<hbm>> -> memref<16x1024xf32, #tpu.memory_space<hbm>>
      tpu.wait_dma2 semaphore(%dma_wait3A_301 : memref<!tpu.dma_semaphore, #tpu.memory_space<semaphore_mem>>) src(%dma_wait3A_307 : memref<16x1024xf32, #tpu.memory_space<hbm>>) dst(%dma_wait3A_305 : memref<16x1024xf32, #tpu.memory_space<vmem>>)
      %mul3A_308 = arith.constant 16 : i32
      %mul3A_309 = arith.muli %add3A_288, %mul3A_308 : i32
      %add3A_310 = arith.addi %add3A, %mul3A_309 : i32
      %dma_start3A_311 = arith.constant 3 : i32
      %dma_start3A_312 = arith.constant 3 : i32
      %dma_start3A_313 = arith.constant 0 : i32
      %dma_start3A_314 = arith.constant 0 : i32
      %dma_start3A_315 = tpu.memref_slice %arg6[%dma_start3A_311, %dma_start3A_313, %dma_start3A_314] : memref<4x16x1024xf32, #tpu.memory_space<vmem>> -> memref<1x16x1024xf32, #tpu.memory_space<vmem>>
      %dma_start3A_316 = tpu.memref_squeeze %dma_start3A_315 : memref<1x16x1024xf32, #tpu.memory_space<vmem>> -> memref<16x1024xf32, #tpu.memory_space<vmem>>
      %dma_start3A_317 = arith.constant 0 : i32
      %dma_start3A_318 = tpu.memref_slice %arg5[%add3A_310, %dma_start3A_317] : memref<65536x1024xf32, #tpu.memory_space<hbm>> -> memref<16x1024xf32, #tpu.memory_space<hbm>>
      %dma_start3A_319 = tpu.memref_slice %arg9[%dma_start3A_312] : memref<4x!tpu.dma_semaphore, #tpu.memory_space<semaphore_mem>> -> memref<1x!tpu.dma_semaphore, #tpu.memory_space<semaphore_mem>>
      %dma_start3A_320 = tpu.memref_squeeze %dma_start3A_319 : memref<1x!tpu.dma_semaphore, #tpu.memory_space<semaphore_mem>> -> memref<!tpu.dma_semaphore, #tpu.memory_space<semaphore_mem>>
      %dma_start3A_321 = arith.constant 0 : i32
      %dma_start3A_322 = tpu.memref_slice %arg5[%add3A_310, %dma_start3A_321] : memref<65536x1024xf32, #tpu.memory_space<hbm>> -> memref<16x1024xf32, #tpu.memory_space<hbm>>
      %dma_start3A_323 = arith.constant 0 : i32
      %dma_start3A_324 = arith.constant 0 : i32
      %dma_start3A_325 = tpu.memref_slice %arg6[%dma_start3A_311, %dma_start3A_323, %dma_start3A_324] : memref<4x16x1024xf32, #tpu.memory_space<vmem>> -> memref<1x16x1024xf32, #tpu.memory_space<vmem>>
      %dma_start3A_326 = tpu.memref_squeeze %dma_start3A_325 : memref<1x16x1024xf32, #tpu.memory_space<vmem>> -> memref<16x1024xf32, #tpu.memory_space<vmem>>
      tpu.enqueue_dma source(%dma_start3A_326 : memref<16x1024xf32, #tpu.memory_space<vmem>>) target(%dma_start3A_322 : memref<16x1024xf32, #tpu.memory_space<hbm>>) target_semaphore(%dma_start3A_320 : memref<!tpu.dma_semaphore, #tpu.memory_space<semaphore_mem>>)
      %mul3A_327 = arith.constant 16 : i32
      %mul3A_328 = arith.muli %add3A_288, %mul3A_327 : i32
      %add3A_329 = arith.addi %add3A, %mul3A_328 : i32
      %dma_wait3A_330 = arith.constant 3 : i32
      %dma_wait3A_331 = arith.constant 3 : i32
      %dma_wait3A_332 = arith.constant 0 : i32
      %dma_wait3A_333 = arith.constant 0 : i32
      %dma_wait3A_334 = tpu.memref_slice %arg6[%dma_wait3A_330, %dma_wait3A_332, %dma_wait3A_333] : memref<4x16x1024xf32, #tpu.memory_space<vmem>> -> memref<1x16x1024xf32, #tpu.memory_space<vmem>>
      %dma_wait3A_335 = tpu.memref_squeeze %dma_wait3A_334 : memref<1x16x1024xf32, #tpu.memory_space<vmem>> -> memref<16x1024xf32, #tpu.memory_space<vmem>>
      %dma_wait3A_336 = arith.constant 0 : i32
      %dma_wait3A_337 = tpu.memref_slice %arg5[%add3A_329, %dma_wait3A_336] : memref<65536x1024xf32, #tpu.memory_space<hbm>> -> memref<16x1024xf32, #tpu.memory_space<hbm>>
      %dma_wait3A_338 = tpu.memref_slice %arg9[%dma_wait3A_331] : memref<4x!tpu.dma_semaphore, #tpu.memory_space<semaphore_mem>> -> memref<1x!tpu.dma_semaphore, #tpu.memory_space<semaphore_mem>>
      %dma_wait3A_339 = tpu.memref_squeeze %dma_wait3A_338 : memref<1x!tpu.dma_semaphore, #tpu.memory_space<semaphore_mem>> -> memref<!tpu.dma_semaphore, #tpu.memory_space<semaphore_mem>>
      %dma_wait3A_340 = arith.constant 0 : i32
      %dma_wait3A_341 = tpu.memref_slice %arg5[%add3A_329, %dma_wait3A_340] : memref<65536x1024xf32, #tpu.memory_space<hbm>> -> memref<16x1024xf32, #tpu.memory_space<hbm>>
      %dma_wait3A_342 = arith.constant 0 : i32
      %dma_wait3A_343 = arith.constant 0 : i32
      %dma_wait3A_344 = tpu.memref_slice %arg6[%dma_wait3A_330, %dma_wait3A_342, %dma_wait3A_343] : memref<4x16x1024xf32, #tpu.memory_space<vmem>> -> memref<1x16x1024xf32, #tpu.memory_space<vmem>>
      %dma_wait3A_345 = tpu.memref_squeeze %dma_wait3A_344 : memref<1x16x1024xf32, #tpu.memory_space<vmem>> -> memref<16x1024xf32, #tpu.memory_space<vmem>>
      tpu.wait_dma2 semaphore(%dma_wait3A_339 : memref<!tpu.dma_semaphore, #tpu.memory_space<semaphore_mem>>) src(%dma_wait3A_345 : memref<16x1024xf32, #tpu.memory_space<vmem>>) dst(%dma_wait3A_341 : memref<16x1024xf32, #tpu.memory_space<hbm>>)
      %add3A_346 = arith.constant 4 : i32
      %add3A_347 = arith.addi %add3A_288, %add3A_346 : i32
      %lt3A_348 = arith.constant 128 : i32
      %lt3A_349 = arith.cmpi slt, %add3A_347, %lt3A_348 : i32
      %convert_element_type3A_350 = arith.extui %lt3A_349 : i1 to i32
      %cond3A_351 = arith.constant 0 : i32
      %cond3A_352 = arith.cmpi ne, %convert_element_type3A_350, %cond3A_351 : i32
      scf.if %cond3A_352 {
        %mul3A_353 = arith.constant 16 : i32
        %mul3A_354 = arith.muli %add3A_347, %mul3A_353 : i32
        %add3A_355 = arith.addi %add3A, %mul3A_354 : i32
        %dma_start3A_356 = arith.constant 3 : i32
        %dma_start3A_357 = arith.constant 3 : i32
        %dma_start3A_358 = arith.constant 0 : i32
        %dma_start3A_359 = arith.constant 0 : i32
        %dma_start3A_360 = tpu.memref_slice %arg6[%dma_start3A_356, %dma_start3A_358, %dma_start3A_359] : memref<4x16x1024xf32, #tpu.memory_space<vmem>> -> memref<1x16x1024xf32, #tpu.memory_space<vmem>>
        %dma_start3A_361 = tpu.memref_squeeze %dma_start3A_360 : memref<1x16x1024xf32, #tpu.memory_space<vmem>> -> memref<16x1024xf32, #tpu.memory_space<vmem>>
        %dma_start3A_362 = arith.constant 0 : i32
        %dma_start3A_363 = tpu.memref_slice %arg2[%add3A_355, %dma_start3A_362] : memref<65536x1024xf32, #tpu.memory_space<hbm>> -> memref<16x1024xf32, #tpu.memory_space<hbm>>
        %dma_start3A_364 = tpu.memref_slice %arg8[%dma_start3A_357] : memref<4x!tpu.dma_semaphore, #tpu.memory_space<semaphore_mem>> -> memref<1x!tpu.dma_semaphore, #tpu.memory_space<semaphore_mem>>
        %dma_start3A_365 = tpu.memref_squeeze %dma_start3A_364 : memref<1x!tpu.dma_semaphore, #tpu.memory_space<semaphore_mem>> -> memref<!tpu.dma_semaphore, #tpu.memory_space<semaphore_mem>>
        %dma_start3A_366 = arith.constant 0 : i32
        %dma_start3A_367 = arith.constant 0 : i32
        %dma_start3A_368 = tpu.memref_slice %arg6[%dma_start3A_356, %dma_start3A_366, %dma_start3A_367] : memref<4x16x1024xf32, #tpu.memory_space<vmem>> -> memref<1x16x1024xf32, #tpu.memory_space<vmem>>
        %dma_start3A_369 = tpu.memref_squeeze %dma_start3A_368 : memref<1x16x1024xf32, #tpu.memory_space<vmem>> -> memref<16x1024xf32, #tpu.memory_space<vmem>>
        %dma_start3A_370 = arith.constant 0 : i32
        %dma_start3A_371 = tpu.memref_slice %arg2[%add3A_355, %dma_start3A_370] : memref<65536x1024xf32, #tpu.memory_space<hbm>> -> memref<16x1024xf32, #tpu.memory_space<hbm>>
        tpu.enqueue_dma source(%dma_start3A_371 : memref<16x1024xf32, #tpu.memory_space<hbm>>) target(%dma_start3A_369 : memref<16x1024xf32, #tpu.memory_space<vmem>>) target_semaphore(%dma_start3A_365 : memref<!tpu.dma_semaphore, #tpu.memory_space<semaphore_mem>>)
      } else {
      }
    }
    %scan3A_77 = arith.constant 32 : i32
    %barrier3A = arith.constant 0 : index
    tpu.barrier barrier_id(%barrier3A)
    %mul3A_78 = arith.constant 2048 : i32
    %mul3A_79 = arith.muli %arg0, %mul3A_78 : i32
    %mul3A_80 = arith.constant 128 : i32
    %mul3A_81 = arith.muli %arg1, %mul3A_80 : i32
    %add3A_82 = arith.addi %mul3A_79, %mul3A_81 : i32
    %scan3A_83 = arith.constant 0 : i32
    %scan3A_84 = arith.constant 8 : i32
    %scan3A_85 = arith.addi %scan3A_83, %scan3A_84 : i32
    %scan3A_86 = arith.constant 1 : i32
    scf.for %scan3A_88 = %scan3A_83 to %scan3A_85 step %scan3A_86  : i32 {
      %mul3A_89 = arith.constant 1 : i32
      %mul3A_90 = arith.muli %scan3A_88, %mul3A_89 : i32
      %add3A_91 = arith.constant 0 : i32
      %add3A_92 = arith.addi %add3A_91, %mul3A_90 : i32
      %mul3A_93 = arith.constant 16 : i32
      %mul3A_94 = arith.muli %add3A_92, %mul3A_93 : i32
      %add3A_95 = arith.addi %add3A_82, %mul3A_94 : i32
      "tpu.region"() ({
        %run_scoped3A_117 = tpu.sem_alloc : memref<!tpu.dma_semaphore, #tpu.memory_space<semaphore_mem>>
        %dma_start3A_118 = tpu.memref_slice %arg4[%add3A_95] : memref<4096xi32, #tpu.memory_space<hbm>> -> memref<16xi32, #tpu.memory_space<hbm>>
        %dma_start3A_119 = tpu.memref_slice %arg4[%add3A_95] : memref<4096xi32, #tpu.memory_space<hbm>> -> memref<16xi32, #tpu.memory_space<hbm>>
        tpu.enqueue_dma source(%dma_start3A_119 : memref<16xi32, #tpu.memory_space<hbm>>) target(%arg7 : memref<16xi32, #tpu.memory_space<vmem>>) target_semaphore(%run_scoped3A_117 : memref<!tpu.dma_semaphore, #tpu.memory_space<semaphore_mem>>)
        %dma_wait3A_120 = tpu.memref_slice %arg4[%add3A_95] : memref<4096xi32, #tpu.memory_space<hbm>> -> memref<16xi32, #tpu.memory_space<hbm>>
        %dma_wait3A_121 = tpu.memref_slice %arg4[%add3A_95] : memref<4096xi32, #tpu.memory_space<hbm>> -> memref<16xi32, #tpu.memory_space<hbm>>
        tpu.wait_dma2 semaphore(%run_scoped3A_117 : memref<!tpu.dma_semaphore, #tpu.memory_space<semaphore_mem>>) src(%dma_wait3A_121 : memref<16xi32, #tpu.memory_space<hbm>>) dst(%arg7 : memref<16xi32, #tpu.memory_space<vmem>>)
        tpu.yield
      }) : () -> ()
      %run_scoped3A = arith.constant 0 : i32
      "tpu.region"() ({
        %run_scoped3A_117 = tpu.sem_alloc : memref<!tpu.dma_semaphore, #tpu.memory_space<semaphore_mem>>
        %dma_start3A_118 = arith.constant 0 : i32
        %dma_start3A_119 = arith.constant 0 : i32
        %dma_start3A_120 = tpu.memref_slice %arg6[%run_scoped3A, %dma_start3A_118, %dma_start3A_119] : memref<4x16x1024xf32, #tpu.memory_space<vmem>> -> memref<1x16x1024xf32, #tpu.memory_space<vmem>>
        %dma_start3A_121 = tpu.memref_squeeze %dma_start3A_120 : memref<1x16x1024xf32, #tpu.memory_space<vmem>> -> memref<16x1024xf32, #tpu.memory_space<vmem>>
        %dma_start3A_122 = arith.constant 0 : i32
        %dma_start3A_123 = tpu.memref_slice %arg3[%add3A_95, %dma_start3A_122] : memref<4096x1024xf32, #tpu.memory_space<hbm>> -> memref<16x1024xf32, #tpu.memory_space<hbm>>
        %dma_start3A_124 = arith.constant 0 : i32
        %dma_start3A_125 = arith.constant 0 : i32
        %dma_start3A_126 = tpu.memref_slice %arg6[%run_scoped3A, %dma_start3A_124, %dma_start3A_125] : memref<4x16x1024xf32, #tpu.memory_space<vmem>> -> memref<1x16x1024xf32, #tpu.memory_space<vmem>>
        %dma_start3A_127 = tpu.memref_squeeze %dma_start3A_126 : memref<1x16x1024xf32, #tpu.memory_space<vmem>> -> memref<16x1024xf32, #tpu.memory_space<vmem>>
        %dma_start3A_128 = arith.constant 0 : i32
        %dma_start3A_129 = tpu.memref_slice %arg3[%add3A_95, %dma_start3A_128] : memref<4096x1024xf32, #tpu.memory_space<hbm>> -> memref<16x1024xf32, #tpu.memory_space<hbm>>
        tpu.enqueue_dma source(%dma_start3A_129 : memref<16x1024xf32, #tpu.memory_space<hbm>>) target(%dma_start3A_127 : memref<16x1024xf32, #tpu.memory_space<vmem>>) target_semaphore(%run_scoped3A_117 : memref<!tpu.dma_semaphore, #tpu.memory_space<semaphore_mem>>)
        %dma_wait3A_130 = arith.constant 0 : i32
        %dma_wait3A_131 = arith.constant 0 : i32
        %dma_wait3A_132 = tpu.memref_slice %arg6[%run_scoped3A, %dma_wait3A_130, %dma_wait3A_131] : memref<4x16x1024xf32, #tpu.memory_space<vmem>> -> memref<1x16x1024xf32, #tpu.memory_space<vmem>>
        %dma_wait3A_133 = tpu.memref_squeeze %dma_wait3A_132 : memref<1x16x1024xf32, #tpu.memory_space<vmem>> -> memref<16x1024xf32, #tpu.memory_space<vmem>>
        %dma_wait3A_134 = arith.constant 0 : i32
        %dma_wait3A_135 = tpu.memref_slice %arg3[%add3A_95, %dma_wait3A_134] : memref<4096x1024xf32, #tpu.memory_space<hbm>> -> memref<16x1024xf32, #tpu.memory_space<hbm>>
        %dma_wait3A_136 = arith.constant 0 : i32
        %dma_wait3A_137 = arith.constant 0 : i32
        %dma_wait3A_138 = tpu.memref_slice %arg6[%run_scoped3A, %dma_wait3A_136, %dma_wait3A_137] : memref<4x16x1024xf32, #tpu.memory_space<vmem>> -> memref<1x16x1024xf32, #tpu.memory_space<vmem>>
        %dma_wait3A_139 = tpu.memref_squeeze %dma_wait3A_138 : memref<1x16x1024xf32, #tpu.memory_space<vmem>> -> memref<16x1024xf32, #tpu.memory_space<vmem>>
        %dma_wait3A_140 = arith.constant 0 : i32
        %dma_wait3A_141 = tpu.memref_slice %arg3[%add3A_95, %dma_wait3A_140] : memref<4096x1024xf32, #tpu.memory_space<hbm>> -> memref<16x1024xf32, #tpu.memory_space<hbm>>
        tpu.wait_dma2 semaphore(%run_scoped3A_117 : memref<!tpu.dma_semaphore, #tpu.memory_space<semaphore_mem>>) src(%dma_wait3A_141 : memref<16x1024xf32, #tpu.memory_space<hbm>>) dst(%dma_wait3A_139 : memref<16x1024xf32, #tpu.memory_space<vmem>>)
        tpu.yield
      }) : () -> ()
      %dma_start3A_96 = arith.constant 0 : i32
      %dma_start3A_97 = arith.constant 0 : i32
      %dma_start3A_98 = arith.constant 0 : i32
      %dma_start3A_99 = arith.constant 0 : i32
      %dma_start3A_100 = tpu.memref_slice %arg6[%dma_start3A_96, %dma_start3A_98, %dma_start3A_99] : memref<4x16x1024xf32, #tpu.memory_space<vmem>> -> memref<1x16x1024xf32, #tpu.memory_space<vmem>>
      %dma_start3A_101 = tpu.memref_squeeze %dma_start3A_100 : memref<1x16x1024xf32, #tpu.memory_space<vmem>> -> memref<16x1024xf32, #tpu.memory_space<vmem>>
      %dma_start3A_102 = arith.constant 0 : i32
      %dma_start3A_103 = arith.constant 0 : i32
      %dma_start3A_104 = tpu.memref_slice %arg5[%dma_start3A_102, %dma_start3A_103] : memref<65536x1024xf32, #tpu.memory_space<hbm>> -> memref<65536x1024xf32, #tpu.memory_space<hbm>>
      %dma_start3A_105 = tpu.memref_slice %arg9[%dma_start3A_97] : memref<4x!tpu.dma_semaphore, #tpu.memory_space<semaphore_mem>> -> memref<1x!tpu.dma_semaphore, #tpu.memory_space<semaphore_mem>>
      %dma_start3A_106 = tpu.memref_squeeze %dma_start3A_105 : memref<1x!tpu.dma_semaphore, #tpu.memory_space<semaphore_mem>> -> memref<!tpu.dma_semaphore, #tpu.memory_space<semaphore_mem>>
      tpu.enqueue_indirect_dma source(%dma_start3A_101 : memref<16x1024xf32, #tpu.memory_space<vmem>>) target(%dma_start3A_104 : memref<65536x1024xf32, #tpu.memory_space<hbm>>) offsets(%arg7 : memref<16xi32, #tpu.memory_space<vmem>>) semaphore(%dma_start3A_106 : memref<!tpu.dma_semaphore, #tpu.memory_space<semaphore_mem>>)
      %dma_wait3A = arith.constant 0 : i32
      %dma_wait3A_107 = arith.constant 0 : i32
      %dma_wait3A_108 = arith.constant 0 : i32
      %dma_wait3A_109 = arith.constant 0 : i32
      %dma_wait3A_110 = tpu.memref_slice %arg6[%dma_wait3A, %dma_wait3A_108, %dma_wait3A_109] : memref<4x16x1024xf32, #tpu.memory_space<vmem>> -> memref<1x16x1024xf32, #tpu.memory_space<vmem>>
      %dma_wait3A_111 = tpu.memref_squeeze %dma_wait3A_110 : memref<1x16x1024xf32, #tpu.memory_space<vmem>> -> memref<16x1024xf32, #tpu.memory_space<vmem>>
      %dma_wait3A_112 = arith.constant 0 : i32
      %dma_wait3A_113 = arith.constant 0 : i32
      %dma_wait3A_114 = tpu.memref_slice %arg5[%dma_wait3A_112, %dma_wait3A_113] : memref<65536x1024xf32, #tpu.memory_space<hbm>> -> memref<65536x1024xf32, #tpu.memory_space<hbm>>
      %dma_wait3A_115 = tpu.memref_slice %arg9[%dma_wait3A_107] : memref<4x!tpu.dma_semaphore, #tpu.memory_space<semaphore_mem>> -> memref<1x!tpu.dma_semaphore, #tpu.memory_space<semaphore_mem>>
      %dma_wait3A_116 = tpu.memref_squeeze %dma_wait3A_115 : memref<1x!tpu.dma_semaphore, #tpu.memory_space<semaphore_mem>> -> memref<!tpu.dma_semaphore, #tpu.memory_space<semaphore_mem>>
      tpu.wait_indirect_dma semaphore(%dma_wait3A_116 : memref<!tpu.dma_semaphore, #tpu.memory_space<semaphore_mem>>) src(%dma_wait3A_111 : memref<16x1024xf32, #tpu.memory_space<vmem>>) dst(%dma_wait3A_114 : memref<65536x1024xf32, #tpu.memory_space<hbm>>)
    }
    %scan3A_87 = arith.constant 8 : i32
    return
  }
}

</mosaic_0001>

<sc_bundles>
// kernel: _dus.3.cloned.1.call-start
scs
__scs_entry_jumppad:
0x0: {  	(pc) =	sbr.rel $0x88, $3  }
0x1: {  	(tag) =	ssettag $0x0;
	lr =	simm.s32 $0x1  }
0x2: {  	[smem:$0x3F9E] =	sst lr;
	_ =	strace $0xD0000000  }
0x3: {  	_ = 	snop  }
0x4: {  	_ = 	snop  }
0x5: {  	_ = 	snop  }
0x6: {  	_ = 	snop  }
0x7: {  	_ = 	snop  }
__scs_overlays_trampoline_lowered:
0x8: {  	[smem:$0x3FAD] =	sst s0  }
0x9: {  	[smem:$0x3FAE] =	sst s1  }
0xa: {  	[smem:$0x3FAF] =	sst s2  }
0xb: {  	[smem:$0x3FB0] =	sst s3  }
0xc: {  	[smem:$0x3FB1] =	sst s4  }
0xd: {  	[smem:$0x3FB2] =	sst s5  }
0xe: {  	[smem:$0x3FB3] =	sst s6  }
0xf: {  	[smem:$0x3FB4] =	sst s7  }
0x10: {  	[smem:$0x3FB5] =	sst s8  }
0x11: {  	[smem:$0x3FB6] =	sst s9;
	s0 =	simm.s32 @!p0 $0x0  }
0x12: {  	s1 =	sld [smem:$0x3F9C];
	s0 =	simm.s32 @p0 $0x1  }
0x13: {  	[smem:$0x3FB7] =	sst s0;
	s0 =	simm.s32 @!p1 $0x0  }
0x14: {  	s2 =	sld [smem:$0x3F9B];
	s0 =	simm.s32 @p1 $0x1  }
0x15: {  	[smem:$0x3FB8] =	sst s0;
	s0 =	simm.s32 @!p2 $0x0  }
0x16: {  	s3 =	sld [smem:$0x3FDB];
	s0 =	simm.s32 @p2 $0x1  }
0x17: {  	s4 =	simm.s32 $0x1BF5;
	[smem:$0x3FBA] =	sst s0  }
0x18: {  	s0 =	sld [smem:$0x3F9D];
	_ =	swait.ge [sflag:s4], $0x0  }
0x19: {  	s7 =	sld [smem:$0x3F9E]  }
0x1a: {  	s8 =	sadd.s32 $0xFFFFE003, lr  }
0x1b: {  	s9 =	sadd.s32 $0xFFFFFEF7, lr;
	s5 =	simm.s32 $0xFFFFFFFF;
	p2 =	slt.u32 s8, $0xFFFFF086  }
0x1c: {  	p1 =	slt.u32 s9, $0xF7A;
	s5 =	simm.s32 @!p2 $0x0  }
0x1d: {  	s5 =	simm.s32 @p1 $0x1;
	p0 =	seq.s32 s7, s2  }
0x1e: {  	s7 =	smul.u32 @!p0 $0xF7A, s2;
	p2 =	seq.s32 @!p0 s5, $0x0  }
0x1f: {  	s9 =	smul.u32 $0xF7A, s1;
	s8 =	simm.s32 @!p0 $0x1BF5;
	p2 =	por !p2, p0  }
0x20: {  	[sflag:s8] =	ssyncset.s32 @!p0 $0xFFFFF086;
	s6 =	sadd.s32 @!p0 s3, s7;
	s7 =	simm.s32 @!p0 $0x108  }
0x21: {  	s3 =	sadd.s32 s3, s9;
	s6 =	sadd.s32 @!p0 $0x88, s6;
	s7 =	simm.s32 @p2 $0x1082  }
0x22: {  	[simem:s7], [sflag:s8] =	dma.local @!p0 [hbm:s6], $0xF7A  }
0x23: {  	s9 =	sor.u32 $0xD0000000, s2;
	s6 =	simm.s32 $0x108;
	_ =	swait.ge @!p0 [sflag:s8], $0x0  }
0x24: {  	s3 =	sadd.s32 $0x88, s3;
	s6 =	simm.s32 @!p1 $0x1082;
	[sflag:s4] =	ssyncset.s32 $0xFFFFF086  }
0x25: {  	[simem:s6], [sflag:s4] =	dma.local [hbm:s3], $0xF7A  }
0x26: {  	[smem:$0x3F9E] =	sst s1;
	(tag) =	ssettag s2;
	_ =	strace s9  }
0x27: {  	s1 =	sld [smem:$0x3FAE]  }
0x28: {  	s2 =	sld [smem:$0x3FAF]  }
0x29: {  	s4 =	sld [smem:$0x3FB1]  }
0x2a: {  	p0 =	seq.s32 s5, $0x0;
	s5 =	sld [smem:$0x3FB2]  }
0x2b: {  	s6 =	sld [smem:$0x3FB3]  }
0x2c: {  	s7 =	sld [smem:$0x3FB4]  }
0x2d: {  	s3 =	simm.s32 $0x108;
	s8 =	sld [smem:$0x3FB5]  }
0x2e: {  	s3 =	simm.s32 @!p0 $0x1082;
	s9 =	sld [smem:$0x3FB6]  }
0x2f: {  	lr =	sadd.s32 s0, s3;
	s0 =	sld [smem:$0x3FAD]  }
0x30: {  	s3 =	sld [smem:$0x3FB0]  }
0x31: {  	[smem:$0x3FB9] =	sst s10  }
0x32: {  	s10 =	sld [smem:$0x3FB7];
	_ =	sdelay $0x3  }
0x33: {  	p0 =	seq.s32 s10, $0x1;
	s10 =	sld [smem:$0x3FB9];
	_ =	sdelay $0x3  }
0x34: {  	[smem:$0x3FB9] =	sst s10  }
0x35: {  	s10 =	sld [smem:$0x3FB8];
	_ =	sdelay $0x3  }
0x36: {  	p1 =	seq.s32 s10, $0x1;
	s10 =	sld [smem:$0x3FB9];
	_ =	sdelay $0x3  }
0x37: {  	[smem:$0x3FB9] =	sst s10  }
0x38: {  	s10 =	sld [smem:$0x3FBA]  }
0x39: {  	_ = 	snop;
	(pc) =	sbr.ind lr, $3  }
0x3a: {  	_ = 	snop  }
0x3b: {  	_ = 	snop  }
0x3c: {  	p2 =	seq.s32 s10, $0x1;
	s10 =	sld [smem:$0x3FB9]  }
0x3d: {  	_ =	shalt  }
0x3e: {  	_ =	shalt  }
0x3f: {  	_ =	shalt  }
0x40: {  	_ =	shalt  }
0x41: {  	_ =	shalt  }
0x42: {  	_ =	shalt  }
0x43: {  	_ =	shalt  }
0x44: {  	_ =	shalt  }
0x45: {  	_ =	shalt  }
0x46: {  	_ =	shalt  }
0x47: {  	_ =	shalt  }
0x48: {  	_ =	shalt  }
0x49: {  	_ =	shalt  }
0x4a: {  	_ =	shalt  }
0x4b: {  	_ =	shalt  }
0x4c: {  	_ =	shalt  }
0x4d: {  	_ =	shalt  }
0x4e: {  	_ =	shalt  }
0x4f: {  	_ =	shalt  }
0x50: {  	_ =	shalt  }
0x51: {  	_ =	shalt  }
0x52: {  	_ =	shalt  }
0x53: {  	_ =	shalt  }
0x54: {  	_ =	shalt  }
0x55: {  	_ =	shalt  }
0x56: {  	_ =	shalt  }
0x57: {  	_ =	shalt  }
0x58: {  	_ =	shalt  }
0x59: {  	_ =	shalt  }
0x5a: {  	_ =	shalt  }
0x5b: {  	_ =	shalt  }
0x5c: {  	_ =	shalt  }
0x5d: {  	_ =	shalt  }
0x5e: {  	_ =	shalt  }
0x5f: {  	_ =	shalt  }
0x60: {  	_ =	shalt  }
0x61: {  	_ =	shalt  }
0x62: {  	_ =	shalt  }
0x63: {  	_ =	shalt  }
0x64: {  	_ =	shalt  }
0x65: {  	_ =	shalt  }
0x66: {  	_ =	shalt  }
0x67: {  	_ =	shalt  }
0x68: {  	_ =	shalt  }
0x69: {  	_ =	shalt  }
0x6a: {  	_ =	shalt  }
0x6b: {  	_ =	shalt  }
0x6c: {  	_ =	shalt  }
0x6d: {  	_ =	shalt  }
0x6e: {  	_ =	shalt  }
0x6f: {  	_ =	shalt  }
0x70: {  	_ =	shalt  }
0x71: {  	_ =	shalt  }
0x72: {  	_ =	shalt  }
0x73: {  	_ =	shalt  }
0x74: {  	_ =	shalt  }
0x75: {  	_ =	shalt  }
0x76: {  	_ =	shalt  }
0x77: {  	_ =	shalt  }
0x78: {  	_ =	shalt  }
0x79: {  	_ =	shalt  }
0x7a: {  	_ =	shalt  }
0x7b: {  	_ =	shalt  }
0x7c: {  	_ =	shalt  }
0x7d: {  	_ =	shalt  }
0x7e: {  	_ =	shalt  }
0x7f: {  	_ =	shalt  }
0x80: {  	_ =	shalt  }
0x81: {  	_ =	shalt  }
0x82: {  	_ =	shalt  }
0x83: {  	_ =	shalt  }
0x84: {  	_ =	shalt  }
0x85: {  	_ =	shalt  }
0x86: {  	_ =	shalt  }
0x87: {  	_ =	shalt  }
.Lfunc_end0:
.L_simem_size_0:
called_computation.2_lowered:
.L_overlay_start_0:
0x88: {  	s2 =	sld [smem:$0x3FD9]  }
0x89: {  	s3 =	sld [smem:$0x3FFE];
	_ =	sdelay $0x1  }
0x8a: {  	s1 =	srdreg.scid  }
0x8b: {  	s0 =	sand.u32 $0x1, s1  }
0x8c: {  	s17 =	sshll.u32 s0, $0xA;
	s2 =	sadd.s32 s3, s2  }
0x8d: {  	s2 =	sadd.s32 s2, s17  }
0x8e: {  	[smem:$0x3FC5] =	sst s2  }
0x8f: {  	_ = 	snop  }
0x90: {  	s2 =	sld [smem:$0x3FD0];
	(tm) =	ssettm $0x1  }
0x91: {  	s18 =	sld [smem:$0x3FFB];
	_ =	sdelay $0x3  }
0x92: {  	_ =	strace s18  }
0x93: {  	s3 =	sld [smem:$0x3FFC];
	_ =	sdelay $0x3  }
0x94: {  	_ =	strace s3  }
0x95: {  	s3 =	sld [smem:$0x3FFD];
	_ =	sdelay $0x3  }
0x96: {  	_ =	strace s3  }
0x97: {  	_ =	strace $0x8FFFFFFF  }
0x98: {  	s19 =	sld [smem:$0x3FDB];
	_ =	sdelay $0x1  }
0x99: {  	s4 =	simm.s32 $_scs_section_size  }
0x9a: {  	s5 =	simm.s32 $_size__tile_overlayer_lowered;
	s6 =	simm.s32 $_tile_overlayer_lowered  }
0x9b: {  	s22 =	simm.s32 $0x1BFF;
	s21 =	sshll.u32 s6, $0x1;
	s3 =	sadd.s32 s4, s19  }
0x9c: {  	s7 =	simm.s32 $0x0;
	s20 =	sshll.u32 s5, $0x1;
	s5 =	sadd.s32 s21, s3  }
0x9d: {  	[timem:s7], [sflag:s22] =	dma.local [hbm:s5], s20  }
0x9e: {  	_ =	swait.ge [sflag:s22], s20  }
0x9f: {  	s4 =	ssub.s32 $0x0, s20;
	[sflag:s22] =	ssyncset.done $0x0  }
0xa0: {  	[sflag:s22] =	ssyncadd.s32 s4;
	_ =	sdelay $0x1  }
0xa1: {  	s23 =	simm.s32 $0x1B8B  }
0xa2: {  	_ =	swait.ge [sflag:s23], $0x1  }
0xa3: {  	[sflag:s23] =	ssyncset.done $0x0  }
0xa4: {  	s25 =	simm.s32 $0x1B8E;
	s24 =	sld [smem:$0x3FFE];
	[sflag:s23] =	ssyncadd.s32 $0xFFFFFFFF  }
0xa5: {  	s26 =	simm.s32 $execute0_lowered;
	[smem:$0x3FD2] =	sst s25  }
0xa6: {  	s5 =	sshll.u32 s26, $0x1;
	_ =	strace $0x80000049;
	[dreg:$0x1] =	wrdreg $0xFFFFFFFF  }
0xa7: {  	s28 =	simm.s32 $_size_execute0_lowered;
	s3 =	sadd.s32 s3, s5;
	[dreg:$0x0] =	wrdreg $0x0  }
0xa8: {  	s5 =	sshll.u32 s28, $0x1;
	[dreg:$0x2] =	wrdreg s3  }
0xa9: {  	[dreg:$0x3] =	wrdreg s5  }
0xaa: {  	[dreg:$0x4] =	wrdreg $0xC0  }
0xab: {  	_ =	task [dreg:s7], $0x5FFFF  }
0xac: {  	[dreg:$0x1] =	wrdreg $0xFFFFFFFF  }
0xad: {  	[dreg:$0x0] =	wrdreg $0x60  }
0xae: {  	[dreg:$0x2] =	wrdreg s2  }
0xaf: {  	[dreg:$0x3] =	wrdreg s24  }
0xb0: {  	[dreg:$0x4] =	wrdreg $0x9  }
0xb1: {  	_ =	task.clear_ibuf [dreg:s7], $0x5FFFF;
	_ =	strace $0x90000049  }
0xb2: {  	s29 =	simm.s32 $0x9;
	_ =	strace $0x8000004B  }
0xb3: {  	_ =	swait.ge [sflag:s29], $0x1  }
0xb4: {  	[sflag:s29] =	ssyncadd.s32 $0xFFFFFFFF  }
0xb5: {  	_ =	strace $0x9000004B  }
0xb6: {  	_ =	sfence  }
0xb7: {  	s30 =	sld [smem:$0x0];
	_ =	sdelay $0x2  }
0xb8: {  	s31 =	sshll.u32 s1, $0xD;
	s1 =	sshrl.u32 s1, $0x2  }
0xb9: {  	s3 =	sand.u32 $0x4000, s31;
	s1 =	sadd.s32 s1, s30  }
0xba: {  	s0 =	sor.u32 s3, s0;
	s1 =	sshll.u32 s1, $0x11  }
0xbb: {  	s0 =	sor.u32 s1, s0  }
0xbc: {  	s0 =	sadd.s32 $0x8F2B, s0  }
0xbd: {  	[sflag:s0] =	ssyncadd.remote.s32 $0x1  }
0xbe: {  	_ =	sfence.sel $0xFFFF  }
0xbf: {  	[dreg:$0x0] =	wrdreg $0xFFFFFFFF;
	(pc) =	sbr.abs _section_cstart, $3  }
0xc0: {  	[dreg:$0x1] =	wrdreg $0xFFFFFFFF  }
0xc1: {  	_ =	task.clear_ibuf [dreg:s7], $0x2FFFF;
	_ =	strace $0x9FFFFFFF  }
0xc2: {  	(tm) =	ssettm $0x7FFFFFFF  }
0xc3: {  	_ =	shalt  }
tec
execute0_lowered:
.L_overlay_start_1:
0x0: {  	(tag) =	ssettag $0x1  }
0x1: {  	s0 =	rddreg [dreg:$0x0]  }
0x2: {  	s1 =	rddreg [dreg:$0x1];
	s2 =	simm.s32 $0x0  }
0x3: {  	s3 =	srdreg.scid;
	s12 =	stileid.u32;
	s18 =	simm.s32 $0xC000  }
0x4: {  	s28 =	simm.s32 $0x10000;
	s29 =	simm.s32 $0x9;
	s30 =	simm.s32 $0x800  }
0x5: {  	s31 =	simm.s32 $0x1000;
	[smem:$0x7FF] =	sst s2;
	s3 =	sand.u32 $0x1, s3  }
0x6: {  	s6 =	sshll.u32 s12, $0x7;
	s11 =	sshll.u32 s12, $0x13;
	s10 =	sadd.s32 $0x1100, s1  }
0x7: {  	s24 =	sshll.u32 s12, $0xE;
	s4 =	sshll.u32 s3, $0x12;
	s5 =	sshll.u32 s3, $0xB  }
0x8: {  	_ =	strace $0x8000004A;
	s19 =	ssub.s32 $0x2, s3;
	s3 =	sadd.s32 $0xE00, s1  }
0x9: {  	s7 =	sadd.s32 s4, s1;
	s5 =	sor.u32 s6, s5;
	s8 =	sshrl.u32 s19, $0x1  }
0xa: {  	s9 =	sor.u32 s4, s11;
	s23 =	sadd.s32 s11, s3;
	s5 =	sshrl.u32 s5, $0x3  }
0xb: {  	s6 =	ssub.s32 s19, s8;
	s20 =	sadd.s32 s0, s9;
	s0 =	sadd.s32 s11, s0  }
0xc: {  	s25 =	sadd.s32 s24, s7;
	s19 =	simm.s32 $0x1;
	s24 =	simm.s32 $0x7  }
0xd: {  	s7 =	simm.s32 $0x3800;
	s11 =	simm.s32 $0x0;
	s5 =	sadd.s32 s5, s1  }
0xe: {  	s9 =	sadd.s32 $0x800, s20;
	s21 =	sadd.s32 $0x1000, s20;
	[dreg:$0x3] =	wrdreg s20  }
0xf: {  	s8 =	sadd.s32 $0x1800, s20;
	s22 =	smax.u32 s6, $0x1;
	s13 =	sadd.s32 s4, s0  }
0x10: {  	s26 =	sadd.s32 $0x1000E00, s25;
	s20 =	simm.s32 $0x5;
	[dreg:$0x4] =	wrdreg s9  }
0x11: {  	s25 =	simm.s32 $0x4;
	s0 =	simm.s32 $0x1800;
	[dreg:$0x5] =	wrdreg s21  }
0x12: {  	s6 =	simm.s32 $0x3000;
	[dreg:$0x6] =	wrdreg s8;
	s8 =	sadd.s32 $0xF00, s1  }
0x13: {  	s9 =	sadd.s32 $0x1000, s1;
	[dreg:$0x7] =	wrdreg s22;
	s1 =	sadd.s32 s4, s23  }
0x14: {  	v2 =	vlaneseq.u32;
	[dreg:$0x9] =	wrdreg s26;
	s15 =	sadd.s32 $0x1080E00, s5;
	s21 =	simm.s32 $0x2  }
0x15: {  	vm0 =	vmmov $0xffff;
	v1 =	vshrl.u32 v2, $0x3;
	s22 =	simm.s32 $0x6;
	s23 =	simm.s32 $0x3;
	s26 =	simm.s32 $0x8  }
0x16: {  	v0 =	vand.u32 $0x7, v2;
	v2 =	vor.u32 $0x8, v2;
	v1 =	vmul.u32 $0x8, v1;
	s5 =	simm.s32 $0x2800;
	[dreg:$0x8] =	wrdreg s1;
	s1 =	simm.s32 $0x2000  }
.LBB2_1:
0x17: {  	[dreg:$0xa] =	wrdreg s11  }
0x18: {  	s4 =	rddreg [dreg:$0x3]  }
0x19: {  	[tilespmem:s2], [sflag:$0x1] =	stream.linear.gather [hbm4b:s4+s2], $0x4000, $0x38;
	[tilespmem:$0x10080] =	vst v63  }
0x1a: {  	s11 =	rddreg [dreg:$0x4];
	s12 =	simm.s32 $0x4000  }
0x1b: {  	[tilespmem:s12], [sflag:$0x2] =	stream.linear.gather [hbm4b:s11+s2], $0x4000, $0x38;
	[tilespmem:$0x10080] =	vst v63  }
0x1c: {  	s14 =	rddreg [dreg:$0x5];
	s16 =	simm.s32 $0x8000  }
0x1d: {  	[tilespmem:s16], [sflag:$0x3] =	stream.linear.gather [hbm4b:s14+s2], $0x4000, $0x38;
	[tilespmem:$0x10080] =	vst v63  }
0x1e: {  	s17 =	rddreg [dreg:$0x6];
	s4 =	simm.s32 $0x0  }
0x1f: {  	[tilespmem:s18], [sflag:$0x4] =	stream.linear.gather [hbm4b:s17+s2], $0x4000, $0x38;
	[tilespmem:$0x10080] =	vst v63  }
.LBB2_2:
0x20: {  	_ =	swait.ge [sflag:s19], $0x4000  }
0x21: {  	[sflag:s19] =	ssyncset.done $0x0;
	s11 =	rddreg [dreg:$0x8]  }
0x22: {  	[sflag:s19] =	ssyncadd.s32 $0xFFFFC000;
	s14 =	sadd.s32 s4, s11  }
0x23: {  	[hbm4b:s14+s2] =	stream.linear.scatter [tilespmem:s2], [sflag:$0x5], $0x4000, $0x38;
	[tilespmem:$0x10080] =	vst v63  }
0x24: {  	p0 =	seq.s32 s4, $0x3E000;
	_ =	swait.ge [sflag:s20], $0x4000  }
0x25: {  	s11 =	sadd.s32 @!p0 s4, s13;
	[sflag:s20] =	ssyncset.done $0x0  }
0x26: {  	s17 =	simm.s32 @!p0 $0x0;
	s16 =	sadd.s32 @!p0 $0x2000, s11;
	[sflag:s20] =	ssyncadd.s32 $0xFFFFC000  }
0x27: {  	[tilespmem:s17], [sflag:$0x1] =	stream.linear.gather @!p0 [hbm4b:s16+s17], $0x4000, $0x38;
	[tilespmem:$0x10080] =	vst v63  }
0x28: {  	_ =	swait.ge [sflag:s21], $0x4000  }
0x29: {  	[sflag:s21] =	ssyncset.done $0x0  }
0x2a: {  	s12 =	simm.s32 $0x4000;
	s16 =	sadd.s32 $0x800, s14;
	[sflag:s21] =	ssyncadd.s32 $0xFFFFC000  }
0x2b: {  	[hbm4b:s16+s2] =	stream.linear.scatter [tilespmem:s12], [sflag:$0x6], $0x4000, $0x38;
	[tilespmem:$0x10080] =	vst v63  }
0x2c: {  	_ =	swait.ge [sflag:s22], $0x4000  }
0x2d: {  	[sflag:s22] =	ssyncset.done $0x0  }
0x2e: {  	s16 =	sadd.s32 @!p0 $0x2800, s11;
	s12 =	simm.s32 @!p0 $0x4000;
	[sflag:s22] =	ssyncadd.s32 $0xFFFFC000  }
0x2f: {  	[tilespmem:s12], [sflag:$0x2] =	stream.linear.gather @!p0 [hbm4b:s16+s17], $0x4000, $0x38;
	[tilespmem:$0x10080] =	vst v63  }
0x30: {  	_ =	swait.ge [sflag:s23], $0x4000  }
0x31: {  	[sflag:s23] =	ssyncset.done $0x0  }
0x32: {  	s12 =	sadd.s32 $0x1000, s14;
	s16 =	simm.s32 $0x8000;
	[sflag:s23] =	ssyncadd.s32 $0xFFFFC000  }
0x33: {  	[hbm4b:s12+s2] =	stream.linear.scatter [tilespmem:s16], [sflag:$0x7], $0x4000, $0x38;
	[tilespmem:$0x10080] =	vst v63  }
0x34: {  	_ =	swait.ge [sflag:s24], $0x4000  }
0x35: {  	[sflag:s24] =	ssyncset.done $0x0  }
0x36: {  	s11 =	sadd.s32 @!p0 $0x3000, s11;
	s12 =	simm.s32 @!p0 $0x8000;
	[sflag:s24] =	ssyncadd.s32 $0xFFFFC000  }
0x37: {  	[tilespmem:s12], [sflag:$0x3] =	stream.linear.gather @!p0 [hbm4b:s11+s17], $0x4000, $0x38;
	[tilespmem:$0x10080] =	vst v63  }
0x38: {  	_ =	swait.ge [sflag:s25], $0x4000  }
0x39: {  	[sflag:s25] =	ssyncset.done $0x0  }
.Ltmp0:
0x3a: {  	s17 =	sadd.s32 $0x1800, s14;
	[sflag:s25] =	ssyncadd.s32 $0xFFFFC000;
	(pc) =	sbr.rel @p0 .LBB2_4-.Ltmp0, $4  }
0x3b: {  	[hbm4b:s17+s2] =	stream.linear.scatter [tilespmem:s18], [sflag:$0x8], $0x4000, $0x38;
	[tilespmem:$0x10080] =	vst v63  }
0x3c: {  	_ =	swait.ge [sflag:s26], $0x4000  }
0x3d: {  	[sflag:s26] =	ssyncset.done $0x0  }
0x3e: {  	[sflag:s26] =	ssyncadd.s32 $0xFFFFC000  }
.Ltmp1:
0x3f: {  	(pc) =	sbr.rel .LBB2_2-.Ltmp1, $4  }
0x40: {  	_ = 	snop  }
0x41: {  	s11 =	sadd.s32 s4, s13  }
0x42: {  	s4 =	sadd.s32 $0x2000, s4;
	s11 =	sadd.s32 $0x3800, s11  }
0x43: {  	[tilespmem:s18], [sflag:$0x4] =	stream.linear.gather [hbm4b:s11+s2], $0x4000, $0x38;
	[tilespmem:$0x10080] =	vst v63  }
.LBB2_4:
0x44: {  	[bflag:$0x0] =	sbarrier.arrive $0xFFFF;
	s4 =	sadd.s32 $0x0, s15  }
0x45: {  	[tilespmem:s28], [sflag:$0x9] =	stream.linear.gather [hbm4b:s4+s2], $0x10, $0x38;
	[tilespmem:$0x10080] =	vst v63  }
0x46: {  	_ =	swait.ge [sflag:s29], $0x10  }
0x47: {  	[sflag:s29] =	ssyncset.done $0x0  }
0x48: {  	s14 =	rddreg [dreg:$0x9];
	[sflag:s29] =	ssyncadd.s32 $0xFFFFFFF0  }
0x49: {  	[tilespmem:s2], [sflag:$0x9] =	stream.linear.gather [hbm4b:s14+s2], $0x4000, $0x38;
	[tilespmem:$0x10080] =	vst v63  }
0x4a: {  	_ =	swait.ge [sflag:s29], $0x4000  }
0x4b: {  	[sflag:s29] =	ssyncset.done $0x0  }
0x4c: {  	[sflag:s29] =	ssyncadd.s32 $0xFFFFC000  }
0x4d: {  	v3 =	vld [tilespmem:$0x10000];
	_ =	sdelay $0x4  }
0x4e: {  	v4 =	vshll.u32 v3, $0x3  }
0x4f: {  	v3 =	vand.u32 $0x7, v3;
	v4 =	vand.u32 $0xFFFFFFC0, v4  }
0x50: {  	v3 =	vor.u32 v3, v4  }
0x51: {  	v4 =	vperm.xlane v3, v0;
	_ =	sdelay $0x1  }
0x52: {  	v4 =	vadd.s32 v1, v4;
	_ =	sdelay $0x4  }
0x53: {  	[hbm4b:s3+s2] =	stream.indirect_vreg.scatter [tilespmem:s2], [sflag:$0x5], $0x80, v4, vm0, $0xb8;
	[tilespmem:$0x10080] =	vst v63  }
0x54: {  	v3 =	vperm.xlane v3, v2  }
0x55: {  	[hbm4b:s8+s2] =	stream.indirect_vreg.scatter [tilespmem:s30], [sflag:$0x5], $0x80, v4, vm0, $0xb8;
	[tilespmem:$0x10080] =	vst v63  }
0x56: {  	v3 =	vadd.s32 v1, v3  }
0x57: {  	[hbm4b:s9+s2] =	stream.indirect_vreg.scatter [tilespmem:s31], [sflag:$0x5], $0x80, v4, vm0, $0xb8;
	[tilespmem:$0x10080] =	vst v63  }
0x58: {  	_ = 	snop  }
0x59: {  	[hbm4b:s10+s2] =	stream.indirect_vreg.scatter [tilespmem:s0], [sflag:$0x5], $0x80, v4, vm0, $0xb8;
	[tilespmem:$0x10080] =	vst v63  }
0x5a: {  	_ = 	snop  }
0x5b: {  	[hbm4b:s3+s2] =	stream.indirect_vreg.scatter [tilespmem:s1], [sflag:$0x5], $0x80, v3, vm0, $0xb8;
	[tilespmem:$0x10080] =	vst v63  }
0x5c: {  	_ = 	snop  }
0x5d: {  	[hbm4b:s8+s2] =	stream.indirect_vreg.scatter [tilespmem:s5], [sflag:$0x5], $0x80, v3, vm0, $0xb8;
	[tilespmem:$0x10080] =	vst v63  }
0x5e: {  	_ = 	snop  }
0x5f: {  	[hbm4b:s9+s2] =	stream.indirect_vreg.scatter [tilespmem:s6], [sflag:$0x5], $0x80, v3, vm0, $0xb8;
	[tilespmem:$0x10080] =	vst v63  }
0x60: {  	_ = 	snop  }
0x61: {  	[hbm4b:s10+s2] =	stream.indirect_vreg.scatter [tilespmem:s7], [sflag:$0x5], $0x80, v3, vm0, $0xb8;
	[tilespmem:$0x10080] =	vst v63  }
0x62: {  	_ =	swait.ge [sflag:s20], $0x4000  }
0x63: {  	s4 =	simm.s32 $0x2;
	[sflag:s20] =	ssyncset.done $0x0  }
.LBB2_5:
0x64: {  	p0 =	sne.s32 s4, $0xE;
	[sflag:s20] =	ssyncadd.s32 $0xFFFFC000;
	s14 =	sadd.s32 $0x800, s14  }
0x65: {  	s11 =	sadd.s32 s4, s15;
	s4 =	sadd.s32 $0x2, s4  }
0x66: {  	[tilespmem:s28], [sflag:$0x9] =	stream.linear.gather [hbm4b:s11+s2], $0x10, $0x38;
	[tilespmem:$0x10080] =	vst v63  }
0x67: {  	_ =	swait.ge [sflag:s29], $0x10  }
0x68: {  	[sflag:s29] =	ssyncset.done $0x0  }
0x69: {  	[sflag:s29] =	ssyncadd.s32 $0xFFFFFFF0  }
0x6a: {  	[tilespmem:s2], [sflag:$0x9] =	stream.linear.gather [hbm4b:s14+s2], $0x4000, $0x38;
	[tilespmem:$0x10080] =	vst v63  }
0x6b: {  	_ =	swait.ge [sflag:s29], $0x4000  }
0x6c: {  	[sflag:s29] =	ssyncset.done $0x0  }
0x6d: {  	[sflag:s29] =	ssyncadd.s32 $0xFFFFC000  }
0x6e: {  	v3 =	vld [tilespmem:$0x10000];
	_ =	sdelay $0x4  }
0x6f: {  	v4 =	vshll.u32 v3, $0x3  }
0x70: {  	v3 =	vand.u32 $0x7, v3;
	v4 =	vand.u32 $0xFFFFFFC0, v4  }
0x71: {  	v3 =	vor.u32 v3, v4  }
0x72: {  	v4 =	vperm.xlane v3, v0;
	v3 =	vperm.xlane v3, v2;
	_ =	sdelay $0x1  }
0x73: {  	v4 =	vadd.s32 v1, v4;
	_ =	sdelay $0x4  }
0x74: {  	[hbm4b:s3+s2] =	stream.indirect_vreg.scatter [tilespmem:s2], [sflag:$0x5], $0x80, v4, vm0, $0xb8;
	[tilespmem:$0x10080] =	vst v63  }
0x75: {  	_ = 	snop  }
0x76: {  	[hbm4b:s8+s2] =	stream.indirect_vreg.scatter [tilespmem:s30], [sflag:$0x5], $0x80, v4, vm0, $0xb8;
	[tilespmem:$0x10080] =	vst v63  }
0x77: {  	v3 =	vadd.s32 v1, v3  }
0x78: {  	[hbm4b:s9+s2] =	stream.indirect_vreg.scatter [tilespmem:s31], [sflag:$0x5], $0x80, v4, vm0, $0xb8;
	[tilespmem:$0x10080] =	vst v63  }
0x79: {  	_ = 	snop  }
0x7a: {  	[hbm4b:s10+s2] =	stream.indirect_vreg.scatter [tilespmem:s0], [sflag:$0x5], $0x80, v4, vm0, $0xb8;
	[tilespmem:$0x10080] =	vst v63  }
0x7b: {  	_ = 	snop  }
0x7c: {  	[hbm4b:s3+s2] =	stream.indirect_vreg.scatter [tilespmem:s1], [sflag:$0x5], $0x80, v3, vm0, $0xb8;
	[tilespmem:$0x10080] =	vst v63  }
0x7d: {  	_ = 	snop  }
0x7e: {  	[hbm4b:s8+s2] =	stream.indirect_vreg.scatter [tilespmem:s5], [sflag:$0x5], $0x80, v3, vm0, $0xb8;
	[tilespmem:$0x10080] =	vst v63  }
0x7f: {  	_ = 	snop  }
0x80: {  	[hbm4b:s9+s2] =	stream.indirect_vreg.scatter [tilespmem:s6], [sflag:$0x5], $0x80, v3, vm0, $0xb8;
	[tilespmem:$0x10080] =	vst v63  }
.Ltmp2:
0x81: {  	_ = 	snop;
	(pc) =	sbr.rel @p0 .LBB2_5-.Ltmp2, $4  }
0x82: {  	_ = 	snop  }
0x83: {  	[hbm4b:s10+s2] =	stream.indirect_vreg.scatter [tilespmem:s7], [sflag:$0x5], $0x80, v3, vm0, $0xb8;
	[tilespmem:$0x10080] =	vst v63  }
0x84: {  	_ =	swait.ge [sflag:s20], $0x4000  }
0x85: {  	[sflag:s20] =	ssyncset.done $0x0  }
0x86: {  	s11 =	rddreg [dreg:$0xa]  }
0x87: {  	s4 =	rddreg [dreg:$0x7];
	s11 =	sadd.s32 $0x1, s11  }
0x88: {  	p0 =	sne.s32 s11, s4  }
.Ltmp3:
0x89: {  	_ = 	snop;
	(pc) =	sbr.rel @p0 .LBB2_1-.Ltmp3, $2  }
0x8a: {  	_ =	sdelay $0x2  }
0x8b: {  	[sflag:s20] =	ssyncadd.s32 $0xFFFFC000  }
0x8c: {  	_ =	sfence.sel $0x180000  }
0x8d: {  	[bflag:$0x0] =	sbarrier.arrive $0xFFFF  }
0x8e: {  	_ =	strace $0x9000004A  }
0x8f: {  	s0 =	stileid.u32;
	[bflag:$0x2] =	sbarrier.arrive $0xFFFF  }
0x90: {  	p0 =	sne.s32 s0, $0x0;
	s0 =	rddreg [dreg:$0x2]  }
0x91: {  	s0 =	sadd.s32 @!p0 $0x100000, s0  }
0x92: {  	[sflag:s0] =	ssyncadd.tile.s32 @!p0 $0x1;
	_ =	shalt  }
.Lfunc_end2:
_tile_overlayer_lowered:
.L_overlay_start_2:
0x93: {  	(tag) =	ssettag $0x2  }
0x94: {  	s0 =	rddreg [dreg:$0x0];
	s2 =	stileid.u32  }
0x95: {  	s1 =	rddreg [dreg:$0x1];
	p0 =	sne.s32 s2, $0x0  }
0x96: {  	s3 =	rddreg [dreg:$0x2];
	[bflag:$0x3] =	sbarrier.arrive $0xFFFF;
	s2 =	simm.s32 @!p0 $0x1C09  }
0x97: {  	[timem:s3], [sflag:s2] =	dma.local @!p0 [hbm:s0], s1  }
0x98: {  	s0 =	simm.s32 @!p0 $0x9  }
0x99: {  	_ =	swait.ge @!p0 [sflag:s0], s1  }
0x9a: {  	s1 =	ssub.s32 @!p0 $0x0, s1;
	[sflag:s0] =	ssyncset.done @!p0 $0x0  }
0x9b: {  	[sflag:s0] =	ssyncadd.s32 @!p0 s1  }
0x9c: {  	[bflag:$0x3] =	sbarrier.arrive $0xFFFF  }
0x9d: {  	_ =	shalt  }

// kernel: sparse-core-data-format-call.1.cloned.1.call-start
scs
called_computation.1_lowered:
.L_overlay_start_0:
0x0: {  	s2 =	sld [smem:$0x3FD9]  }
0x1: {  	s3 =	sld [smem:$0x3FFE];
	_ =	sdelay $0x1  }
0x2: {  	s1 =	srdreg.scid  }
0x3: {  	s0 =	sand.u32 $0x1, s1  }
0x4: {  	s18 =	sshll.u32 s0, $0xA;
	s2 =	sadd.s32 s3, s2  }
0x5: {  	s2 =	sadd.s32 s2, s18  }
0x6: {  	[smem:$0x3FC5] =	sst s2  }
0x7: {  	_ = 	snop  }
0x8: {  	s2 =	sld [smem:$0x3FC9];
	(tm) =	ssettm $0x1  }
0x9: {  	s19 =	sld [smem:$0x3FFB];
	_ =	sdelay $0x3  }
0xa: {  	_ =	strace s19  }
0xb: {  	s3 =	sld [smem:$0x3FFC];
	_ =	sdelay $0x3  }
0xc: {  	_ =	strace s3  }
0xd: {  	s3 =	sld [smem:$0x3FFD];
	_ =	sdelay $0x3  }
0xe: {  	_ =	strace s3  }
0xf: {  	_ =	strace $0x8FFFFFFF  }
0x10: {  	s20 =	sld [smem:$0x3FDB];
	_ =	sdelay $0x1  }
0x11: {  	s4 =	simm.s32 $_scs_section_size  }
0x12: {  	s5 =	simm.s32 $_size__tile_overlayer_lowered;
	s6 =	simm.s32 $_tile_overlayer_lowered  }
0x13: {  	s23 =	simm.s32 $0x1BFF;
	s22 =	sshll.u32 s6, $0x1;
	s3 =	sadd.s32 s4, s20  }
0x14: {  	s7 =	simm.s32 $0x0;
	s21 =	sshll.u32 s5, $0x1;
	s5 =	sadd.s32 s22, s3  }
0x15: {  	[timem:s7], [sflag:s23] =	dma.local [hbm:s5], s21  }
0x16: {  	_ =	swait.ge [sflag:s23], s21  }
0x17: {  	s4 =	ssub.s32 $0x0, s21;
	[sflag:s23] =	ssyncset.done $0x0  }
0x18: {  	[sflag:s23] =	ssyncadd.s32 s4;
	_ =	sdelay $0x1  }
0x19: {  	s24 =	simm.s32 $0x1B8B  }
0x1a: {  	_ =	swait.ge [sflag:s24], $0x1  }
0x1b: {  	[sflag:s24] =	ssyncset.done $0x0  }
0x1c: {  	s26 =	simm.s32 $0x1B8E;
	s25 =	sld [smem:$0x3FFE];
	[sflag:s24] =	ssyncadd.s32 $0xFFFFFFFF  }
0x1d: {  	s27 =	simm.s32 $execute0_lowered;
	[smem:$0x3FD2] =	sst s26  }
0x1e: {  	s5 =	sshll.u32 s27, $0x1;
	_ =	strace $0x80000046;
	[dreg:$0x1] =	wrdreg $0xFFFFFFFF  }
0x1f: {  	s28 =	simm.s32 $_size_execute0_lowered;
	s3 =	sadd.s32 s3, s5;
	[dreg:$0x0] =	wrdreg $0x0  }
0x20: {  	s5 =	sshll.u32 s28, $0x1;
	[dreg:$0x2] =	wrdreg s3  }
0x21: {  	[dreg:$0x3] =	wrdreg s5  }
0x22: {  	[dreg:$0x4] =	wrdreg $0xC0  }
0x23: {  	_ =	task [dreg:s7], $0x5FFFF  }
0x24: {  	[dreg:$0x1] =	wrdreg $0xFFFFFFFF  }
0x25: {  	[dreg:$0x0] =	wrdreg $0x60  }
0x26: {  	[dreg:$0x2] =	wrdreg s2  }
0x27: {  	[dreg:$0x3] =	wrdreg s25  }
0x28: {  	[dreg:$0x4] =	wrdreg $0x9  }
0x29: {  	_ =	task.clear_ibuf [dreg:s7], $0x5FFFF;
	_ =	strace $0x90000046  }
0x2a: {  	s29 =	simm.s32 $0x9;
	_ =	strace $0x80000048  }
0x2b: {  	_ =	swait.ge [sflag:s29], $0x1  }
0x2c: {  	[sflag:s29] =	ssyncadd.s32 $0xFFFFFFFF  }
0x2d: {  	_ =	strace $0x90000048  }
0x2e: {  	_ =	sfence  }
0x2f: {  	s30 =	sld [smem:$0x0];
	_ =	sdelay $0x2  }
0x30: {  	s31 =	sshll.u32 s1, $0xD;
	s1 =	sshrl.u32 s1, $0x2  }
0x31: {  	s3 =	sand.u32 $0x4000, s31;
	s1 =	sadd.s32 s1, s30  }
0x32: {  	s0 =	sor.u32 s3, s0;
	s1 =	sshll.u32 s1, $0x11  }
0x33: {  	s0 =	sor.u32 s1, s0  }
0x34: {  	s0 =	sadd.s32 $0x8F2B, s0  }
0x35: {  	[sflag:s0] =	ssyncadd.remote.s32 $0x1  }
0x36: {  	_ =	sfence.sel $0xFFFF  }
0x37: {  	[dreg:$0x0] =	wrdreg $0xFFFFFFFF;
	(pc) =	sbr.abs _section_cstart, $3  }
0x38: {  	[dreg:$0x1] =	wrdreg $0xFFFFFFFF  }
0x39: {  	_ =	task.clear_ibuf [dreg:s7], $0x2FFFF;
	_ =	strace $0x9FFFFFFF  }
0x3a: {  	(tm) =	ssettm $0x7FFFFFFF  }
0x3b: {  	_ =	shalt  }
tec
execute0_lowered:
.L_overlay_start_1:
0x0: {  	(tag) =	ssettag $0x1  }
0x1: {  	s2 =	rddreg [dreg:$0x0]  }
0x2: {  	s1 =	rddreg [dreg:$0x1]  }
0x3: {  	s3 =	srdreg.scid;
	s0 =	rddreg [dreg:$0x2]  }
0x4: {  	_ =	strace $0x80000047;
	s5 =	simm.s32 $0x1;
	s8 =	simm.s32 $0x2  }
0x5: {  	s15 =	simm.s32 $0x0;
	p0 =	por $0x0, $0x0;
	s14 =	simm.s32 $0x0  }
0x6: {  	s17 =	simm.s32 $0x0;
	s16 =	simm.s32 $0x0;
	s10 =	simm.s32 $0x0  }
0x7: {  	s11 =	simm.s32 $0x0;
	s13 =	stileid.u32;
	s3 =	sand.u32 $0x1, s3  }
.Ltmp0:
0x8: {  	s4 =	sadd.s32 $0xE00, s1;
	s6 =	ssub.s32 $0x10, s3;
	(pc) =	sbr.rel .LBB1_1-.Ltmp0, $4  }
0x9: {  	s1 =	stileid.u32;
	[sflag:s5] =	ssyncpa.u1 $0x0;
	s7 =	sshrl.u32 s6, $0x1  }
0xa: {  	[sflag:s8] =	ssyncpa.u1 $0x0;
	s8 =	simm.s32 $0x800;
	s9 =	sadd.s32 s3, s7  }
0xb: {  	s12 =	smov.u32 s3;
	s6 =	ssub.s32 s6, s7;
	s31 =	sshll.u32 s9, $0x4  }
0xc: {  	s6 =	sshll.u32 s6, $0x4;
	s9 =	simm.s32 $0x0;
	s7 =	ssub.s32 $0x102, s31  }
.LBB1_4:
0xd: {  	_ = 	snop  }
0xe: {  	[tilespmem:s22+$0x1860 ss:$0x41] =	vst.msk $0xffff, v8  }
0xf: {  	[tilespmem:s22+$0x1C70 ss:$0x41] =	vst.msk $0xffff, v7  }
0x10: {  	[tilespmem:s22+$0x2490 ss:$0x41] =	vst.msk $0xffff, v1  }
0x11: {  	s25 =	sor.u32 s28, s27;
	v47 =	vld.idx.msk [tilespmem:v0+s20+$0x470 ss:$0x1], $0xffff;
	[tilespmem:s22+$0x28A0 ss:$0x41] =	vst.msk $0xffff, v2  }
0x12: {  	[tilespmem:s22+$0x2CB0 ss:$0x41] =	vst.msk $0xffff, v3;
	v57 =	vld.idx.msk [tilespmem:v0+s25+$0x410 ss:$0x1], $0xffff  }
0x13: {  	[tilespmem:s22+$0x30C0 ss:$0x41] =	vst.msk $0xffff, v4;
	v58 =	vld.idx.msk [tilespmem:v0+s25+$0x420 ss:$0x1], $0xffff  }
0x14: {  	[tilespmem:s22+$0x34D0 ss:$0x41] =	vst.msk $0xffff, v5;
	s26 =	sand.u32 $0x3B00, s25;
	v59 =	vld.idx.msk [tilespmem:v0+s25+$0x430 ss:$0x1], $0xffff  }
0x15: {  	[tilespmem:s22+$0x38E0 ss:$0x41] =	vst.msk $0xffff, v6;
	v60 =	vld.idx.msk [tilespmem:v0+s25+$0x440 ss:$0x1], $0xffff;
	s19 =	sadd.s32 s26, s19;
	s26 =	sshra.s32 s23, $0x2  }
0x16: {  	v61 =	vld.idx.msk [tilespmem:v0+s25+$0x450 ss:$0x1], $0xffff;
	s20 =	sadd.s32 s26, s21;
	[tilespmem:s22+$0x3CF0 ss:$0x41] =	vst.msk $0xffff, v47  }
0x17: {  	s24 =	sand.u32 $0x80, s24;
	v62 =	vld.idx.msk [tilespmem:v0+s25+$0x460 ss:$0x1], $0xffff;
	[tilespmem:s20+$0x2490 ss:$0x41] =	vst.msk $0xffff, v57  }
0x18: {  	v63 =	vld.idx.msk [tilespmem:v0+s25+$0x470 ss:$0x1], $0xffff;
	s19 =	sadd.s32 s24, s19;
	[tilespmem:s20+$0x28A0 ss:$0x41] =	vst.msk $0xffff, v58  }
0x19: {  	v48 =	vld [tilespmem:s19+$0x400];
	[tilespmem:s20+$0x2CB0 ss:$0x41] =	vst.msk $0xffff, v59  }
0x1a: {  	v49 =	vld [tilespmem:s19+$0x0];
	[tilespmem:s20+$0x30C0 ss:$0x41] =	vst.msk $0xffff, v60  }
0x1b: {  	v50 =	vld [tilespmem:s19+$0x10];
	[tilespmem:s20+$0x34D0 ss:$0x41] =	vst.msk $0xffff, v61  }
0x1c: {  	v51 =	vld [tilespmem:s19+$0x20];
	[tilespmem:s20+$0x38E0 ss:$0x41] =	vst.msk $0xffff, v62  }
0x1d: {  	v52 =	vld [tilespmem:s19+$0x30];
	[tilespmem:s20+$0x3CF0 ss:$0x41] =	vst.msk $0xffff, v63  }
0x1e: {  	v53 =	vld [tilespmem:s19+$0x40];
	[tilespmem:s20+$0x2080 ss:$0x41] =	vst.msk $0xffff, v48  }
0x1f: {  	v54 =	vld [tilespmem:s19+$0x50];
	[tilespmem:s20+$0x0 ss:$0x41] =	vst.msk $0xffff, v49  }
0x20: {  	s17 =	sshll.u32 s17, $0x7;
	s27 =	sshll.u32 s14, $0x3;
	s16 =	sshll.u32 s16, $0x14;
	v55 =	vld [tilespmem:s19+$0x60];
	[tilespmem:s20+$0x410 ss:$0x41] =	vst.msk $0xffff, v50  }
0x21: {  	s15 =	sshll.u32 s15, $0x8;
	s28 =	sand.u32 $0x400, s17;
	v56 =	vld [tilespmem:s19+$0x70];
	s19 =	sand.u32 $0x400, s27;
	[tilespmem:s20+$0x820 ss:$0x41] =	vst.msk $0xffff, v51  }
0x22: {  	s29 =	sshrl.u32 s14, $0x3;
	s17 =	sand.u32 $0x380, s17;
	s19 =	sadd.s32 s28, s19;
	[tilespmem:s20+$0xC30 ss:$0x41] =	vst.msk $0xffff, v52  }
0x23: {  	s30 =	sand.u32 $0x7, s14;
	s16 =	sadd.s32 s4, s16;
	s17 =	sor.u32 s17, s19;
	[tilespmem:s20+$0x1040 ss:$0x41] =	vst.msk $0xffff, v53  }
0x24: {  	s15 =	sadd.s32 s15, s16;
	s19 =	sand.u32 $0xF, s29;
	s17 =	sshrl.u32 s17, $0x3;
	[tilespmem:s20+$0x1450 ss:$0x41] =	vst.msk $0xffff, v54  }
0x25: {  	s14 =	sshll.u32 s30, $0x12;
	s15 =	sadd.s32 s19, s15;
	s31 =	sand.u32 $0xF0, s17;
	[tilespmem:s20+$0x1860 ss:$0x41] =	vst.msk $0xffff, v55  }
0x26: {  	s14 =	sor.u32 $0x40, s14;
	[tilespmem:s20+$0x1C70 ss:$0x41] =	vst.msk $0xffff, v56;
	s15 =	sadd.s32 s31, s15  }
0x27: {  	[hbm4b:s15+s14] =	stream.strided.scatter [tilespmem:s18], [sflag:$0x2], $0x4000, s8, s14, $0x18;
	[tilespmem:$0x10200] =	vst v63  }
.LBB1_5:
0x28: {  	s18 =	sadd.s32 $0x100, s10  }
0x29: {  	s14 =	sadd.s32 $0x40, s11;
	s19 =	smov.u32 s11;
	p2 =	sgt.s32 s18, $0xFFF  }
0x2a: {  	s19 =	smov.u32 @p2 s14  }
0x2b: {  	s20 =	smov.u32 s12;
	s14 =	sadd.s32 $0x2, s12;
	p3 =	sgt.s32 s19, $0x3F  }
0x2c: {  	s20 =	smov.u32 @p3 s14  }
0x2d: {  	s21 =	smov.u32 s13;
	s14 =	sadd.s32 $0x10, s13;
	p4 =	sgt.s32 s20, $0xF  }
0x2e: {  	p1 =	slt.u32 s9, $0x2;
	s21 =	smov.u32 @p4 s14  }
0x2f: {  	s9 =	sadd.s32 $0x1, s9;
	s18 =	simm.s32 @p2 $0x0;
	p2 =	sgt.s32 s21, $0xF  }
0x30: {  	s15 =	smov.u32 s10;
	s21 =	smov.u32 @p2 s1;
	p2 =	sne.s32 s9, s7  }
.Ltmp1:
0x31: {  	s17 =	smov.u32 s12;
	s22 =	simm.s32 @!p1 $0x2;
	(pc) =	sbr.rel @!p2 .LBB1_6-.Ltmp1, $4  }
0x32: {  	s16 =	smov.u32 s13;
	p0 =	por !p0, !p0;
	_ =	swait.ge @!p1 [sflag:s22], $0x4000  }
0x33: {  	[sflag:s22] =	ssyncset.done @!p1 $0x0;
	s10 =	smov.u32 s18;
	s19 =	simm.s32 @p3 $0x0  }
0x34: {  	[sflag:s22] =	ssyncadd.s32 @!p1 $0xFFFFC000;
	s20 =	smov.u32 @p4 s3;
	s14 =	smov.u32 s11  }
0x35: {  	s11 =	smov.u32 s19;
	s12 =	smov.u32 s20;
	s13 =	smov.u32 s21  }
.LBB1_1:
0x36: {  	p1 =	sge.u32 s9, s6  }
0x37: {  	s31 =	sadd.s32 $0xFFFFFFFF, s9;
	s18 =	sxor.u32 @!p1 $0xFFFFFFFF, s9;
	s19 =	sand.u32 @!p1 $0x78, s10  }
0x38: {  	s20 =	sshll.u32 @!p1 s11, $0x7;
	s21 =	sshll.u32 @!p1 s11, $0xC;
	s22 =	sshll.u32 @!p1 s10, $0x3  }
0x39: {  	s18 =	sshll.u32 @!p1 s18, $0xE;
	s20 =	sand.u32 @!p1 $0x380, s20;
	s21 =	sand.u32 @!p1 $0x38000, s21  }
0x3a: {  	s18 =	sand.u32 @!p1 $0x4000, s18;
	s19 =	sor.u32 @!p1 s20, s19;
	s20 =	sand.u32 @!p1 $0xC00, s22  }
0x3b: {  	s21 =	sadd.s32 @!p1 s21, s22;
	s19 =	sor.u32 @!p1 s20, s19;
	s20 =	sshll.u32 @!p1 s13, $0x13  }
0x3c: {  	s22 =	sshll.u32 @!p1 s12, $0xF;
	s21 =	sshrl.u32 @!p1 s21, $0x3;
	s20 =	sadd.s32 @!p1 s2, s20  }
0x3d: {  	s21 =	sand.u32 @!p1 $0x7E00, s21;
	s20 =	sadd.s32 @!p1 s22, s20;
	s22 =	sand.u32 @!p1 $0x7, s10  }
0x3e: {  	s19 =	sshrl.u32 @!p1 s19, $0x3;
	s20 =	sadd.s32 @!p1 s21, s20;
	s21 =	sshll.u32 @!p1 s22, $0x12  }
0x3f: {  	s19 =	sadd.s32 @!p1 s19, s20;
	s20 =	sor.u32 @!p1 $0x800, s21;
	s21 =	simm.s32 @!p1 $0x8000  }
0x40: {  	[tilespmem:s18], [sflag:$0x1] =	stream.strided.gather @!p1 [hbm4b:s19+s20], $0x4000, s21, s20, $0x38;
	[tilespmem:$0x10200] =	vst v63  }
0x41: {  	p1 =	sge.u32 s31, s6  }
.Ltmp2:
0x42: {  	_ = 	snop;
	(pc) =	sbr.rel @p1 .LBB1_5-.Ltmp2, $1  }
0x43: {  	_ =	sdelay $0x3  }
0x44: {  	s21 =	simm.s32 $0x0  }
0x45: {  	s20 =	sand.u32 $0x3800, s21;
	s22 =	sand.u32 $0x380, s21  }
0x46: {  	s18 =	sand.u32 $0x1, s9;
	s20 =	sor.u32 s22, s20  }
0x47: {  	_ =	swait.ge [sflag:s5], $0x4000;
	s19 =	sshll.u32 s18, $0xE;
	s22 =	sand.u32 $0x3B00, s20  }
0x48: {  	[sflag:s5] =	ssyncset.done $0x0;
	s21 =	sand.u32 $0x80, s21;
	s22 =	sadd.s32 s22, s19  }
0x49: {  	[sflag:s5] =	ssyncadd.s32 $0xFFFFC000;
	s24 =	sadd.s32 s21, s22  }
0x4a: {  	v4 =	vld [tilespmem:s24+$0x400]  }
0x4b: {  	s23 =	simm.s32 $0x1;
	v5 =	vld [tilespmem:s24+$0x0]  }
0x4c: {  	s23 =	simm.s32 @!p0 $0x0;
	v6 =	vld [tilespmem:s24+$0x10]  }
0x4d: {  	v0 =	vmov s19;
	s31 =	smul.u32 $0x10400, s23;
	v7 =	vld [tilespmem:s24+$0x20]  }
0x4e: {  	v9 =	vld [tilespmem:s24+$0x30]  }
0x4f: {  	s21 =	sshrl.u32 s31, $0x2;
	v10 =	vld [tilespmem:s24+$0x40]  }
0x50: {  	s21 =	sor.u32 $0x8000, s21;
	v11 =	vld [tilespmem:s24+$0x50]  }
0x51: {  	v8 =	vld [tilespmem:s24+$0x60];
	s22 =	sadd.s32 $0x0, s21  }
0x52: {  	v1 =	vld.idx.msk [tilespmem:v0+s20+$0x410 ss:$0x1], $0xffff;
	[tilespmem:s22+$0x2080 ss:$0x41] =	vst.msk $0xffff, v4  }
0x53: {  	v2 =	vld.idx.msk [tilespmem:v0+s20+$0x420 ss:$0x1], $0xffff;
	[tilespmem:s22+$0x0 ss:$0x41] =	vst.msk $0xffff, v5  }
0x54: {  	v3 =	vld.idx.msk [tilespmem:v0+s20+$0x430 ss:$0x1], $0xffff;
	[tilespmem:s22+$0x410 ss:$0x41] =	vst.msk $0xffff, v6  }
0x55: {  	s18 =	smul.u32 $0x10400, s18;
	[tilespmem:s22+$0x820 ss:$0x41] =	vst.msk $0xffff, v7;
	v7 =	vld [tilespmem:s24+$0x70]  }
0x56: {  	s25 =	simm.s32 $0x100;
	s26 =	simm.s32 $0x8;
	[tilespmem:s22+$0xC30 ss:$0x41] =	vst.msk $0xffff, v9;
	v4 =	vld.idx.msk [tilespmem:v0+s20+$0x440 ss:$0x1], $0xffff  }
0x57: {  	s27 =	sand.u32 $0x3800, s25;
	s18 =	sshrl.u32 s18, $0x2;
	[tilespmem:s22+$0x1040 ss:$0x41] =	vst.msk $0xffff, v10;
	v5 =	vld.idx.msk [tilespmem:v0+s20+$0x450 ss:$0x1], $0xffff;
	s24 =	simm.s32 $0x80  }
0x58: {  	s23 =	simm.s32 $0x4;
	s18 =	sor.u32 $0x8000, s18;
	[tilespmem:s22+$0x1450 ss:$0x41] =	vst.msk $0xffff, v11;
	v6 =	vld.idx.msk [tilespmem:v0+s20+$0x460 ss:$0x1], $0xffff;
	s28 =	sand.u32 $0x380, s24  }
.LBB1_3:
0x59: {  	p1 =	sne.s32 s26, $0xFC;
	[tilespmem:s22+$0x1860 ss:$0x41] =	vst.msk $0xffff, v8;
	v8 =	vld.idx.msk [tilespmem:v0+s20+$0x470 ss:$0x1], $0xffff;
	s20 =	sor.u32 s28, s27  }
0x5a: {  	s27 =	sand.u32 $0x3B00, s20;
	v9 =	vld.idx.msk [tilespmem:v0+s20+$0x410 ss:$0x1], $0xffff;
	[tilespmem:s22+$0x1C70 ss:$0x41] =	vst.msk $0xffff, v7  }
0x5b: {  	s28 =	sand.u32 $0x80, s24;
	s27 =	sadd.s32 s27, s19;
	v7 =	vld.idx.msk [tilespmem:v0+s20+$0x420 ss:$0x1], $0xffff;
	[tilespmem:s22+$0x2490 ss:$0x41] =	vst.msk $0xffff, v1  }
0x5c: {  	s27 =	sadd.s32 s28, s27;
	v10 =	vld.idx.msk [tilespmem:v0+s20+$0x430 ss:$0x1], $0xffff;
	[tilespmem:s22+$0x28A0 ss:$0x41] =	vst.msk $0xffff, v2  }
0x5d: {  	v11 =	vld [tilespmem:s27+$0x400];
	[tilespmem:s22+$0x2CB0 ss:$0x41] =	vst.msk $0xffff, v3  }
0x5e: {  	v12 =	vld [tilespmem:s27+$0x0];
	[tilespmem:s22+$0x30C0 ss:$0x41] =	vst.msk $0xffff, v4  }
0x5f: {  	v4 =	vld [tilespmem:s27+$0x10];
	[tilespmem:s22+$0x34D0 ss:$0x41] =	vst.msk $0xffff, v5  }
0x60: {  	s28 =	sshra.s32 s23, $0x2;
	s23 =	smov.u32 s26;
	v1 =	vmov v9;
	v5 =	vld [tilespmem:s27+$0x20];
	[tilespmem:s22+$0x38E0 ss:$0x41] =	vst.msk $0xffff, v6  }
0x61: {  	v2 =	vmov v7;
	v6 =	vld [tilespmem:s27+$0x30];
	[tilespmem:s22+$0x3CF0 ss:$0x41] =	vst.msk $0xffff, v8;
	s22 =	sadd.s32 s28, s21  }
0x62: {  	v3 =	vmov v10;
	v9 =	vld [tilespmem:s27+$0x40];
	[tilespmem:s22+$0x2080 ss:$0x41] =	vst.msk $0xffff, v11  }
0x63: {  	[tilespmem:s22+$0x0 ss:$0x41] =	vst.msk $0xffff, v12;
	v10 =	vld [tilespmem:s27+$0x50]  }
.Ltmp3:
0x64: {  	[tilespmem:s22+$0x410 ss:$0x41] =	vst.msk $0xffff, v4;
	v8 =	vld [tilespmem:s27+$0x60];
	(pc) =	sbr.rel @p1 .LBB1_3-.Ltmp3, $4  }
0x65: {  	[tilespmem:s22+$0x820 ss:$0x41] =	vst.msk $0xffff, v5;
	v7 =	vld [tilespmem:s27+$0x70]  }
0x66: {  	[tilespmem:s22+$0xC30 ss:$0x41] =	vst.msk $0xffff, v6;
	v4 =	vld.idx.msk [tilespmem:v0+s20+$0x440 ss:$0x1], $0xffff  }
0x67: {  	s24 =	sadd.s32 $0x80, s24;
	s25 =	sadd.s32 $0x100, s25;
	[tilespmem:s22+$0x1040 ss:$0x41] =	vst.msk $0xffff, v9;
	v5 =	vld.idx.msk [tilespmem:v0+s20+$0x450 ss:$0x1], $0xffff  }
0x68: {  	s26 =	sadd.s32 $0x4, s26;
	s28 =	sand.u32 $0x380, s24;
	s27 =	sand.u32 $0x3800, s25;
	[tilespmem:s22+$0x1450 ss:$0x41] =	vst.msk $0xffff, v10;
	v6 =	vld.idx.msk [tilespmem:v0+s20+$0x460 ss:$0x1], $0xffff  }
.Ltmp4:
0x69: {  	_ = 	snop;
	(pc) =	sbr.rel .LBB1_4-.Ltmp4, $1  }
0x6a: {  	_ =	sdelay $0x3  }
.LBB1_6:
0x6b: {  	_ =	sfence.sel $0x180000  }
0x6c: {  	s2 =	simm.s32 $0x1;
	[bflag:$0x0] =	sbarrier.arrive $0xFFFF  }
0x6d: {  	s31 =	simm.s32 $0x2;
	[sflag:s2] =	ssyncpa.u1 $0x1  }
0x6e: {  	[sflag:s31] =	ssyncpa.u1 $0x1  }
0x6f: {  	p0 =	sne.s32 s1, $0x0;
	_ =	strace $0x90000047  }
0x70: {  	s0 =	sadd.s32 @!p0 $0x100000, s0;
	[bflag:$0x2] =	sbarrier.arrive $0xFFFF  }
0x71: {  	[sflag:s0] =	ssyncadd.tile.s32 @!p0 $0x1;
	_ =	shalt  }
.Lfunc_end1:
_tile_overlayer_lowered:
.L_overlay_start_2:
0x72: {  	(tag) =	ssettag $0x2  }
0x73: {  	s0 =	rddreg [dreg:$0x0];
	s2 =	stileid.u32  }
0x74: {  	s1 =	rddreg [dreg:$0x1];
	p0 =	sne.s32 s2, $0x0  }
0x75: {  	s3 =	rddreg [dreg:$0x2];
	[bflag:$0x3] =	sbarrier.arrive $0xFFFF;
	s2 =	simm.s32 @!p0 $0x1C01  }
0x76: {  	[timem:s3], [sflag:s2] =	dma.local @!p0 [hbm:s0], s1  }
0x77: {  	s0 =	simm.s32 @!p0 $0x1  }
0x78: {  	_ =	swait.ge @!p0 [sflag:s0], s1  }
0x79: {  	s1 =	ssub.s32 @!p0 $0x0, s1;
	[sflag:s0] =	ssyncset.done @!p0 $0x0  }
0x7a: {  	[sflag:s0] =	ssyncadd.s32 @!p0 s1  }
0x7b: {  	[bflag:$0x3] =	sbarrier.arrive $0xFFFF  }
0x7c: {  	_ =	shalt  }

// kernel: sparse-core-data-format-call.cloned.1.call-start
scs
called_computation_lowered:
.L_overlay_start_0:
0x0: {  	s2 =	sld [smem:$0x3FD9]  }
0x1: {  	s3 =	sld [smem:$0x3FFE];
	_ =	sdelay $0x1  }
0x2: {  	s1 =	srdreg.scid  }
0x3: {  	s0 =	sand.u32 $0x1, s1  }
0x4: {  	s18 =	sshll.u32 s0, $0xA;
	s2 =	sadd.s32 s3, s2  }
0x5: {  	s2 =	sadd.s32 s2, s18  }
0x6: {  	[smem:$0x3FC5] =	sst s2  }
0x7: {  	_ = 	snop  }
0x8: {  	s2 =	sld [smem:$0x3FD0];
	(tm) =	ssettm $0x1  }
0x9: {  	s19 =	sld [smem:$0x3FFB];
	_ =	sdelay $0x3  }
0xa: {  	_ =	strace s19  }
0xb: {  	s3 =	sld [smem:$0x3FFC];
	_ =	sdelay $0x3  }
0xc: {  	_ =	strace s3  }
0xd: {  	s3 =	sld [smem:$0x3FFD];
	_ =	sdelay $0x3  }
0xe: {  	_ =	strace s3  }
0xf: {  	_ =	strace $0x8FFFFFFF  }
0x10: {  	s20 =	sld [smem:$0x3FDB];
	_ =	sdelay $0x1  }
0x11: {  	s4 =	simm.s32 $_scs_section_size  }
0x12: {  	s5 =	simm.s32 $_size__tile_overlayer_lowered;
	s6 =	simm.s32 $_tile_overlayer_lowered  }
0x13: {  	s23 =	simm.s32 $0x1BFF;
	s22 =	sshll.u32 s6, $0x1;
	s3 =	sadd.s32 s4, s20  }
0x14: {  	s7 =	simm.s32 $0x0;
	s21 =	sshll.u32 s5, $0x1;
	s5 =	sadd.s32 s22, s3  }
0x15: {  	[timem:s7], [sflag:s23] =	dma.local [hbm:s5], s21  }
0x16: {  	_ =	swait.ge [sflag:s23], s21  }
0x17: {  	s4 =	ssub.s32 $0x0, s21;
	[sflag:s23] =	ssyncset.done $0x0  }
0x18: {  	[sflag:s23] =	ssyncadd.s32 s4;
	_ =	sdelay $0x1  }
0x19: {  	s24 =	simm.s32 $0x1B8B  }
0x1a: {  	_ =	swait.ge [sflag:s24], $0x1  }
0x1b: {  	[sflag:s24] =	ssyncset.done $0x0  }
0x1c: {  	s26 =	simm.s32 $0x1B8E;
	s25 =	sld [smem:$0x3FFE];
	[sflag:s24] =	ssyncadd.s32 $0xFFFFFFFF  }
0x1d: {  	s27 =	simm.s32 $execute0_lowered;
	[smem:$0x3FD2] =	sst s26  }
0x1e: {  	s5 =	sshll.u32 s27, $0x1;
	_ =	strace $0x8000004C;
	[dreg:$0x1] =	wrdreg $0xFFFFFFFF  }
0x1f: {  	s28 =	simm.s32 $_size_execute0_lowered;
	s3 =	sadd.s32 s3, s5;
	[dreg:$0x0] =	wrdreg $0x0  }
0x20: {  	s5 =	sshll.u32 s28, $0x1;
	[dreg:$0x2] =	wrdreg s3  }
0x21: {  	[dreg:$0x3] =	wrdreg s5  }
0x22: {  	[dreg:$0x4] =	wrdreg $0xC0  }
0x23: {  	_ =	task [dreg:s7], $0x5FFFF  }
0x24: {  	[dreg:$0x1] =	wrdreg $0xFFFFFFFF  }
0x25: {  	[dreg:$0x0] =	wrdreg $0x60  }
0x26: {  	[dreg:$0x2] =	wrdreg s25  }
0x27: {  	[dreg:$0x3] =	wrdreg s2  }
0x28: {  	[dreg:$0x4] =	wrdreg $0x9  }
0x29: {  	_ =	task.clear_ibuf [dreg:s7], $0x5FFFF;
	_ =	strace $0x9000004C  }
0x2a: {  	s29 =	simm.s32 $0x9;
	_ =	strace $0x8000004E  }
0x2b: {  	_ =	swait.ge [sflag:s29], $0x1  }
0x2c: {  	[sflag:s29] =	ssyncadd.s32 $0xFFFFFFFF  }
0x2d: {  	_ =	strace $0x9000004E  }
0x2e: {  	_ =	sfence  }
0x2f: {  	s30 =	sld [smem:$0x0];
	_ =	sdelay $0x2  }
0x30: {  	s31 =	sshll.u32 s1, $0xD;
	s1 =	sshrl.u32 s1, $0x2  }
0x31: {  	s3 =	sand.u32 $0x4000, s31;
	s1 =	sadd.s32 s1, s30  }
0x32: {  	s0 =	sor.u32 s3, s0;
	s1 =	sshll.u32 s1, $0x11  }
0x33: {  	s0 =	sor.u32 s1, s0  }
0x34: {  	s0 =	sadd.s32 $0x8F2B, s0  }
0x35: {  	[sflag:s0] =	ssyncadd.remote.s32 $0x1  }
0x36: {  	_ =	sfence.sel $0xFFFF  }
0x37: {  	[dreg:$0x0] =	wrdreg $0xFFFFFFFF;
	(pc) =	sbr.abs _section_cstart, $3  }
0x38: {  	[dreg:$0x1] =	wrdreg $0xFFFFFFFF  }
0x39: {  	_ =	task.clear_ibuf [dreg:s7], $0x2FFFF;
	_ =	strace $0x9FFFFFFF  }
0x3a: {  	(tm) =	ssettm $0x7FFFFFFF  }
0x3b: {  	_ =	shalt  }
tec
execute0_lowered:
.L_overlay_start_1:
0x0: {  	(tag) =	ssettag $0x1  }
0x1: {  	s3 =	rddreg [dreg:$0x0]  }
0x2: {  	s0 =	srdreg.scid;
	s1 =	rddreg [dreg:$0x1]  }
0x3: {  	s5 =	simm.s32 $0x1;
	s7 =	simm.s32 $0x2;
	s13 =	simm.s32 $0x0  }
0x4: {  	p0 =	por $0x0, $0x0;
	s8 =	simm.s32 $0x8000;
	s0 =	sshll.u32 s0, $0x7  }
0x5: {  	s14 =	simm.s32 $0x0;
	s15 =	simm.s32 $0x0;
	s2 =	sand.u32 $0x80, s0  }
0x6: {  	s9 =	simm.s32 $0x0;
	s11 =	stileid.u32;
	s6 =	ssub.s32 $0x1000, s2  }
.Ltmp0:
0x7: {  	s12 =	simm.s32 $0x0;
	s31 =	sshrl.u32 s6, $0x7;
	(pc) =	sbr.rel .LBB1_1-.Ltmp0, $4  }
0x8: {  	s4 =	sadd.s32 $0x800E00, s3;
	s6 =	sshrl.u32 s6, $0x8;
	s3 =	sand.u32 $0x1, s31  }
0x9: {  	s0 =	rddreg [dreg:$0x2];
	_ =	strace $0x8000004D;
	s6 =	sadd.s32 s6, s3  }
0xa: {  	[sflag:s5] =	ssyncpa.u1 $0x0;
	s10 =	smov.u32 s2;
	s6 =	sshll.u32 s6, $0x4  }
0xb: {  	[sflag:s7] =	ssyncpa.u1 $0x0;
	s3 =	stileid.u32;
	s7 =	sor.u32 $0x1, s6  }
.LBB1_4:
0xc: {  	s18 =	sshll.u32 s14, $0x3  }
0xd: {  	s19 =	sand.u32 $0x78, s14;
	s15 =	sshll.u32 s15, $0x13;
	s30 =	sand.u32 $0x7E00, s14  }
0xe: {  	s13 =	sshll.u32 s13, $0xF;
	s18 =	sand.u32 $0xC00, s18;
	s15 =	sadd.s32 s1, s15  }
0xf: {  	[tilespmem:s17+$0x810 ss:$0x81] =	vst.msk $0xffff, v2;
	s31 =	sand.u32 $0x7, s14;
	s18 =	sor.u32 s19, s18;
	s15 =	sadd.s32 s30, s15  }
0x10: {  	[tilespmem:s17+$0x1020 ss:$0x81] =	vst.msk $0xffff, v0;
	s14 =	sshll.u32 s31, $0x12;
	s18 =	sshrl.u32 s18, $0x3;
	s13 =	sadd.s32 s13, s15  }
0x11: {  	[tilespmem:s17+$0x0 ss:$0x81] =	vst.msk $0xffff, v1;
	s14 =	sor.u32 $0x400, s14;
	s13 =	sadd.s32 s18, s13  }
0x12: {  	[hbm4b:s13+s14] =	stream.strided.scatter [tilespmem:s16], [sflag:$0x2], $0x2000, s8, s14, $0x20;
	[tilespmem:$0x8080] =	vst v63  }
.LBB1_5:
0x13: {  	s16 =	sadd.s32 $0x1, s9  }
0x14: {  	s13 =	sadd.s32 $0x100, s10;
	s17 =	smov.u32 s10;
	p2 =	sgt.s32 s16, $0xF  }
0x15: {  	s17 =	smov.u32 @p2 s13  }
0x16: {  	s19 =	smov.u32 s11;
	s13 =	sadd.s32 $0x10, s11;
	p3 =	sgt.s32 s17, $0xFFF  }
0x17: {  	s19 =	smov.u32 @p3 s13  }
0x18: {  	s16 =	simm.s32 @p2 $0x0;
	p2 =	sgt.s32 s19, $0xF  }
0x19: {  	p1 =	slt.u32 s12, $0x2;
	s19 =	smov.u32 @p2 s3;
	p2 =	sne.s32 s12, s7  }
.Ltmp1:
0x1a: {  	s18 =	simm.s32 @!p1 $0x2;
	(pc) =	sbr.rel @!p2 .LBB1_6-.Ltmp1, $4  }
0x1b: {  	s14 =	smov.u32 s10;
	s15 =	smov.u32 s11;
	_ =	swait.ge @!p1 [sflag:s18], $0x2000  }
0x1c: {  	p0 =	por !p0, !p0;
	[sflag:s18] =	ssyncset.done @!p1 $0x0;
	s17 =	smov.u32 @p3 s2  }
0x1d: {  	s13 =	smov.u32 s9;
	[sflag:s18] =	ssyncadd.s32 @!p1 $0xFFFFE000;
	s9 =	smov.u32 s16  }
0x1e: {  	s10 =	smov.u32 s17;
	s12 =	sadd.s32 $0x1, s12;
	s11 =	smov.u32 s19  }
.LBB1_1:
0x1f: {  	p1 =	sge.u32 s12, s6;
	s31 =	sadd.s32 $0xFFFFFFFF, s12  }
0x20: {  	s16 =	sxor.u32 @!p1 $0xFFFFFFFF, s12;
	s17 =	sshll.u32 @!p1 s11, $0x14;
	s18 =	sshll.u32 @!p1 s10, $0x8  }
0x21: {  	s19 =	sshll.u32 @!p1 s9, $0x4;
	s16 =	sshll.u32 @!p1 s16, $0xD;
	s17 =	sadd.s32 @!p1 s4, s17  }
0x22: {  	s19 =	sand.u32 @!p1 $0xF0, s19;
	s16 =	sand.u32 @!p1 $0x2000, s16;
	s17 =	sadd.s32 @!p1 s18, s17  }
0x23: {  	s18 =	simm.s32 @!p1 $0x40;
	s17 =	sadd.s32 @!p1 s19, s17;
	s19 =	simm.s32 @!p1 $0x800  }
0x24: {  	[tilespmem:s16], [sflag:$0x1] =	stream.strided.gather @!p1 [hbm4b:s17+s18], $0x2000, s19, s18, $0x38;
	[tilespmem:$0x8080] =	vst v63  }
0x25: {  	p1 =	sge.u32 s31, s6  }
.Ltmp2:
0x26: {  	_ = 	snop;
	(pc) =	sbr.rel @p1 .LBB1_5-.Ltmp2, $1  }
0x27: {  	_ =	sdelay $0x3  }
0x28: {  	s16 =	simm.s32 $0x1  }
0x29: {  	_ =	swait.ge [sflag:s5], $0x2000;
	s16 =	simm.s32 @!p0 $0x0  }
0x2a: {  	[sflag:s5] =	ssyncset.done $0x0;
	s17 =	sshll.u32 s16, $0xD  }
0x2b: {  	[sflag:s5] =	ssyncadd.s32 $0xFFFFE000;
	s20 =	sor.u32 $0x20, s17  }
0x2c: {  	s16 =	smul.u32 $0x8100, s16;
	v3 =	vld [tilespmem:s20+$0x10]  }
0x2d: {  	s30 =	sand.u32 $0x1, s12;
	v2 =	vld [tilespmem:s20+$0xFFFFFFF0]  }
0x2e: {  	s17 =	smul.u32 $0x8100, s30;
	s16 =	sshrl.u32 s16, $0x2;
	v0 =	vld [tilespmem:s20+$0x0]  }
0x2f: {  	v1 =	vld [tilespmem:s20+$0xFFFFFFE0];
	s18 =	sor.u32 $0x4000, s16  }
0x30: {  	s31 =	sshrl.u32 s17, $0x2;
	s17 =	sadd.s32 $0x0, s18  }
0x31: {  	s19 =	simm.s32 $0x4;
	s20 =	sadd.s32 $0x40, s20;
	s16 =	sor.u32 $0x4000, s31;
	[tilespmem:s17+$0x1830 ss:$0x81] =	vst.msk $0xffff, v3  }
.LBB1_3:
0x32: {  	v3 =	vld [tilespmem:s20+$0x10];
	p1 =	sne.s32 s19, $0x1FC;
	[tilespmem:s17+$0x810 ss:$0x81] =	vst.msk $0xffff, v2;
	s21 =	smov.u32 s19;
	s19 =	sadd.s32 $0x4, s19  }
.Ltmp3:
0x33: {  	v2 =	vld [tilespmem:s20+$0xFFFFFFF0];
	[tilespmem:s17+$0x1020 ss:$0x81] =	vst.msk $0xffff, v0;
	(pc) =	sbr.rel @p1 .LBB1_3-.Ltmp3, $4  }
0x34: {  	v0 =	vld [tilespmem:s20+$0x0];
	[tilespmem:s17+$0x0 ss:$0x81] =	vst.msk $0xffff, v1  }
0x35: {  	s17 =	sshra.s32 s21, $0x2;
	v1 =	vld [tilespmem:s20+$0xFFFFFFE0]  }
0x36: {  	s17 =	sadd.s32 s17, s18  }
0x37: {  	s20 =	sadd.s32 $0x40, s20;
	[tilespmem:s17+$0x1830 ss:$0x81] =	vst.msk $0xffff, v3  }
.Ltmp4:
0x38: {  	_ = 	snop;
	(pc) =	sbr.rel .LBB1_4-.Ltmp4, $1  }
0x39: {  	_ =	sdelay $0x3  }
.LBB1_6:
0x3a: {  	_ =	sfence.sel $0x180000  }
0x3b: {  	s1 =	simm.s32 $0x1;
	[bflag:$0x0] =	sbarrier.arrive $0xFFFF  }
0x3c: {  	s31 =	simm.s32 $0x2;
	[sflag:s1] =	ssyncpa.u1 $0x1  }
0x3d: {  	[sflag:s31] =	ssyncpa.u1 $0x1  }
0x3e: {  	p0 =	sne.s32 s3, $0x0;
	_ =	strace $0x9000004D  }
0x3f: {  	s0 =	sadd.s32 @!p0 $0x100000, s0;
	[bflag:$0x2] =	sbarrier.arrive $0xFFFF  }
0x40: {  	[sflag:s0] =	ssyncadd.tile.s32 @!p0 $0x1;
	_ =	shalt  }
.Lfunc_end1:
_tile_overlayer_lowered:
.L_overlay_start_2:
0x41: {  	(tag) =	ssettag $0x2  }
0x42: {  	s0 =	rddreg [dreg:$0x0];
	s2 =	stileid.u32  }
0x43: {  	s1 =	rddreg [dreg:$0x1];
	p0 =	sne.s32 s2, $0x0  }
0x44: {  	s3 =	rddreg [dreg:$0x2];
	[bflag:$0x3] =	sbarrier.arrive $0xFFFF;
	s2 =	simm.s32 @!p0 $0x1C01  }
0x45: {  	[timem:s3], [sflag:s2] =	dma.local @!p0 [hbm:s0], s1  }
0x46: {  	s0 =	simm.s32 @!p0 $0x1  }
0x47: {  	_ =	swait.ge @!p0 [sflag:s0], s1  }
0x48: {  	s1 =	ssub.s32 @!p0 $0x0, s1;
	[sflag:s0] =	ssyncset.done @!p0 $0x0  }
0x49: {  	[sflag:s0] =	ssyncadd.s32 @!p0 s1  }
0x4a: {  	[bflag:$0x3] =	sbarrier.arrive $0xFFFF  }
0x4b: {  	_ =	shalt  }

</sc_bundles>
